<compile_context>
chip_gen: v7x
topology: tpu7x:2x2x1
jax: 0.10.2.dev20260603
libtpu: 0.0.44.dev20260713+nightly
codegen_flags: <defaults>
</compile_context>

<pallas_src>
import functools

import jax
import jax.numpy as jnp
from jax import lax
from jax.experimental import pallas as pl
from jax.experimental.pallas import tpu as pltpu
from jax.experimental.pallas import tpu_sc as plsc

NUM_CLASSES = 64
P = 4
N = 100000
D = 128

M_TC = 68000
BN = 2000
NBLK = M_TC // BN
NBLK_ALL = N // BN

N_SC = N - M_TC
CH = 80
GC = 5
GR = CH * GC
NG = N_SC // GR
NC_ALL = N // CH
COFF = M_TC // CH
NS = 16
ITERS = (NG + NS - 1) // NS
KPF = 8



def _tc_body(lab_ref, feat_ref, sums_ref, cnt_ref):
    i = pl.program_id(0)

    @pl.when(i == 0)
    def _init():
        sums_ref[...] = jnp.zeros_like(sums_ref)
        cnt_ref[...] = jnp.zeros_like(cnt_ref)

    lab = lab_ref[0, :, :]
    kidx = jax.lax.broadcasted_iota(jnp.int32, (NUM_CLASSES, BN), 0)
    onehot = (lab == kidx).astype(jnp.float32)

    cnt_ref[...] += jnp.broadcast_to(
        jnp.sum(onehot, axis=1, keepdims=True), (NUM_CLASSES, D)
    )
    for p in range(P):
        sums_ref[p, :, :] += jnp.dot(
            onehot, feat_ref[p, :, :], preferred_element_type=jnp.float32
        )


def _tc_partial(labels3, features):
    return pl.pallas_call(
        _tc_body,
        grid=(NBLK,),
        in_specs=[
            pl.BlockSpec((1, 1, BN), lambda i: (i, 0, 0)),
            pl.BlockSpec((P, BN, D), lambda i: (0, i, 0)),
        ],
        out_specs=[
            pl.BlockSpec((P, NUM_CLASSES, D), lambda i: (0, 0, 0)),
            pl.BlockSpec((NUM_CLASSES, D), lambda i: (0, 0)),
        ],
        out_shape=[
            jax.ShapeDtypeStruct((P, NUM_CLASSES, D), jnp.float32),
            jax.ShapeDtypeStruct((NUM_CLASSES, D), jnp.float32),
        ],
    )(labels3, features)


def _combine_body(ts_ref, tc_ref, ss_ref, sc_ref, out_ref):
    cnt = tc_ref[...] + sc_ref[...]
    out_ref[...] = (ts_ref[...] + ss_ref[...]) / cnt[None, :, :]


def _combine(tc_sums, tc_cnt, sc_sums, sc_cnt):
    return pl.pallas_call(
        _combine_body,
        out_shape=jax.ShapeDtypeStruct((P, NUM_CLASSES, D), jnp.float32),
    )(tc_sums, tc_cnt, sc_sums, sc_cnt)



def _sc_seg_sum(feat_hbm, lab_hbm, sums_hbm, cnt_hbm,
                idx0, idx1, idx2, idx3, idx4,
                rows_a, rows_b, ones_v, work_v,
                sem_l, sem_a, sem_b,
                acc0, acc1, cnt_sh):
    c = lax.axis_index("c")
    s = lax.axis_index("s")
    idxs = (idx0, idx1, idx2, idx3, idx4)
    one16 = jnp.ones((16,), jnp.float32)
    zero16 = jnp.zeros((16,), jnp.float32)

    def ones_row(r, carry):
        for j in range(D // 16):
            ones_v[r, pl.ds(16 * j, 16)] = one16
        return carry

    lax.fori_loop(0, CH, ones_row, 0)
    for r in range(KPF):
        for j in range(D // 16):
            work_v[r, pl.ds(16 * j, 16)] = zero16

    @pl.when(s < 8)
    def _zero_shared():
        pltpu.sync_copy(work_v, acc0.at[pl.ds(KPF * s, KPF)])
        pltpu.sync_copy(work_v, acc1.at[pl.ds(KPF * s, KPF)])
        pltpu.sync_copy(work_v, cnt_sh.at[pl.ds(KPF * s, KPF)])

    plsc.subcore_barrier()

    def group_body(it, carry):
        g = it * NS + s

        @pl.when(g < NG)
        def _process():
            row0 = M_TC + g * GR
            da = pltpu.async_copy(feat_hbm.at[c * 2, pl.ds(row0, GR)],
                                  rows_a, sem_a)
            dls = [pltpu.async_copy(lab_hbm.at[COFF + g * GC + j], idxs[j],
                                    sem_l)
                   for j in range(GC)]
            for d in dls:
                d.wait()
            da.wait()
            db = pltpu.async_copy(feat_hbm.at[c * 2 + 1, pl.ds(row0, GR)],
                                  rows_b, sem_b)
            for j in range(GC):
                pltpu.sync_copy(rows_a.at[pl.ds(j * CH, CH)],
                                acc0.at[idxs[j]], add=True)
            for j in range(GC):
                pltpu.sync_copy(ones_v, cnt_sh.at[idxs[j]], add=True)
            db.wait()
            for j in range(GC):
                pltpu.sync_copy(rows_b.at[pl.ds(j * CH, CH)],
                                acc1.at[idxs[j]], add=True)

        return carry

    lax.fori_loop(0, ITERS, group_body, 0)
    plsc.subcore_barrier()

    @pl.when(s < 8)
    def _writeback():
        sl = pl.ds(KPF * s, KPF)
        pltpu.sync_copy(acc0.at[sl], sums_hbm.at[c * 2, sl])
        pltpu.sync_copy(acc1.at[sl], sums_hbm.at[c * 2 + 1, sl])

        @pl.when(c == 0)
        def _write_cnt():
            pltpu.sync_copy(cnt_sh.at[sl], cnt_hbm.at[sl])


_sc_partial = functools.partial(
    pl.kernel,
    out_type=(
        jax.ShapeDtypeStruct((P, NUM_CLASSES, D), jnp.float32),
        jax.ShapeDtypeStruct((NUM_CLASSES, D), jnp.float32),
    ),
    mesh=plsc.VectorSubcoreMesh(core_axis_name="c", subcore_axis_name="s"),
    scratch_types=[
        pltpu.VMEM((CH,), jnp.int32),
        pltpu.VMEM((CH,), jnp.int32),
        pltpu.VMEM((CH,), jnp.int32),
        pltpu.VMEM((CH,), jnp.int32),
        pltpu.VMEM((CH,), jnp.int32),
        pltpu.VMEM((GR, D), jnp.float32),
        pltpu.VMEM((GR, D), jnp.float32),
        pltpu.VMEM((CH, D), jnp.float32),
        pltpu.VMEM((KPF, D), jnp.float32),
        pltpu.SemaphoreType.DMA,
        pltpu.SemaphoreType.DMA,
        pltpu.SemaphoreType.DMA,
        pltpu.VMEM_SHARED((NUM_CLASSES, D), jnp.float32),
        pltpu.VMEM_SHARED((NUM_CLASSES, D), jnp.float32),
        pltpu.VMEM_SHARED((NUM_CLASSES, D), jnp.float32),
    ],
)(_sc_seg_sum)


@jax.jit
def kernel(features, context_labels):
    labels = context_labels.astype(jnp.int32)
    labels3 = labels.reshape(NBLK_ALL, 1, BN)
    labels2 = labels.reshape(NC_ALL, CH)
    sc_sums, sc_cnt = _sc_partial(features, labels2)
    tc_sums, tc_cnt = _tc_partial(labels3, features)
    return _combine(tc_sums, tc_cnt, sc_sums, sc_cnt)

# --- scband reference (transcript-rebuilt; emitter-appended) ---
"""Pipeline reference for scband-decoder-base-53584011985263 (READ-ONLY COPY).

The authoritative reference and input builder live on the scoring server;
editing this copy changes nothing except your own understanding.
"""

import jax, jax.numpy as jnp
import numpy as np

NUM_CLASSES = 64


def setup_inputs(seed: int = 0) -> dict:
    key = jax.random.key(seed)
    k1, k2 = jax.random.split(key)
    features = jax.random.normal(k1, (4, 100000, 128), dtype=jnp.float32)
    context_labels = jnp.sort(jax.random.randint(k2, (100000,), 0, NUM_CLASSES))
    return {"features": features, "context_labels": context_labels}


def reference(features, context_labels):
    # Faithful JAX translation of DecoderBase.get_class_reps (via
    # adapt_features_prototypes): for each class c present in context_labels,
    # gather rows of `features` (along axis 1) with that label and take the
    # mean, then stack class representations along dim=1.
    # With 100k labels drawn from 64 classes, all classes are present, so
    # torch.unique == arange(NUM_CLASSES) and this reduces to a segment mean.
    counts = jnp.bincount(context_labels, length=NUM_CLASSES)
    feats_t = jnp.swapaxes(features, 0, 1)  # (N, P, D)
    sums = jax.ops.segment_sum(feats_t, context_labels, num_segments=NUM_CLASSES)  # (K, P, D)
    means = sums / counts[:, None, None].astype(features.dtype)
    prototypes = jnp.swapaxes(means, 0, 1)  # (P, K, D) == torch.stack(..., dim=1)
    return prototypes

if __name__ == "__main__":
    import jax
    _d = setup_inputs()
    print(jax.jit(kernel)(*tuple(_d.values())))

</pallas_src>

<mosaic_0001>
#map = affine_map<(d0, d1) -> (0, 0, 0)>
#map1 = affine_map<(d0, d1) -> (0, 0)>
module attributes {stable_mosaic.version = 14 : i64} {
  func.func @_sc_seg_sum(%arg0: i32, %arg1: i32, %arg2: memref<4x100000x128xf32, #tpu.memory_space<hbm>>, %arg3: memref<1250x80xi32, #tpu.memory_space<hbm>>, %arg4: memref<4x64x128xf32, #tpu.memory_space<hbm>>, %arg5: memref<64x128xf32, #tpu.memory_space<hbm>>, %arg6: memref<80xi32, #tpu.memory_space<vmem>>, %arg7: memref<80xi32, #tpu.memory_space<vmem>>, %arg8: memref<80xi32, #tpu.memory_space<vmem>>, %arg9: memref<80xi32, #tpu.memory_space<vmem>>, %arg10: memref<80xi32, #tpu.memory_space<vmem>>, %arg11: memref<400x128xf32, #tpu.memory_space<vmem>>, %arg12: memref<400x128xf32, #tpu.memory_space<vmem>>, %arg13: memref<80x128xf32, #tpu.memory_space<vmem>>, %arg14: memref<8x128xf32, #tpu.memory_space<vmem>>, %arg15: memref<!tpu.dma_semaphore, #tpu.memory_space<semaphore_mem>>, %arg16: memref<!tpu.dma_semaphore, #tpu.memory_space<semaphore_mem>>, %arg17: memref<!tpu.dma_semaphore, #tpu.memory_space<semaphore_mem>>, %arg18: memref<64x128xf32, #tpu.memory_space<vmem_shared>>, %arg19: memref<64x128xf32, #tpu.memory_space<vmem_shared>>, %arg20: memref<64x128xf32, #tpu.memory_space<vmem_shared>>) attributes {dimension_semantics = [#tpu.dimension_semantics<core_parallel>, #tpu.dimension_semantics<subcore_parallel>], iteration_bounds = array<i64: 2, 16>, scalar_prefetch = 0 : i64, scratch_operands = 15 : i64, tpu.core_type = #tpu.core_type<sc_vector_subcore>, window_params = [{transform_indices = #map}, {transform_indices = #map1}, {transform_indices = #map}, {transform_indices = #map1}]} {
    %broadcast_in_dim3A = arith.constant 1.000000e+00 : f32
    %broadcast_in_dim3A_0 = vector.broadcast %broadcast_in_dim3A : f32 to vector<16xf32>
    %broadcast_in_dim3A_1 = arith.constant 0.000000e+00 : f32
    %broadcast_in_dim3A_2 = vector.broadcast %broadcast_in_dim3A_1 : f32 to vector<16xf32>
    %scan3A = arith.constant 0 : i32
    %scan3A_3 = arith.constant 0 : i32
    %scan3A_4 = arith.constant 80 : i32
    %scan3A_5 = arith.addi %scan3A_3, %scan3A_4 : i32
    %scan3A_6 = arith.constant 1 : i32
    scf.for %scan3A_405 = %scan3A_3 to %scan3A_5 step %scan3A_6  : i32 {
      %swap3A_406 = arith.index_cast %scan3A_405 : i32 to index
      %swap3A_407 = arith.constant 0 : index
      %swap3A_408 = tpu.vector_load %arg13[%swap3A_406, %swap3A_407] {strides = array<i32>} : memref<80x128xf32, #tpu.memory_space<vmem>>, vector<1x16xf32>,
      %swap3A_409 = vector.shape_cast %swap3A_408 : vector<1x16xf32> to vector<16xf32>
      %swap3A_410 = vector.shape_cast %broadcast_in_dim3A_0 : vector<16xf32> to vector<1x16xf32>
      tpu.vector_store %arg13[%swap3A_406, %swap3A_407], %swap3A_410 {strides = array<i32>} : memref<80x128xf32, #tpu.memory_space<vmem>>, vector<1x16xf32>,
      %swap3A_411 = arith.index_cast %scan3A_405 : i32 to index
      %swap3A_412 = arith.constant 16 : index
      %swap3A_413 = tpu.vector_load %arg13[%swap3A_411, %swap3A_412] {strides = array<i32>} : memref<80x128xf32, #tpu.memory_space<vmem>>, vector<1x16xf32>,
      %swap3A_414 = vector.shape_cast %swap3A_413 : vector<1x16xf32> to vector<16xf32>
      %swap3A_415 = vector.shape_cast %broadcast_in_dim3A_0 : vector<16xf32> to vector<1x16xf32>
      tpu.vector_store %arg13[%swap3A_411, %swap3A_412], %swap3A_415 {strides = array<i32>} : memref<80x128xf32, #tpu.memory_space<vmem>>, vector<1x16xf32>,
      %swap3A_416 = arith.index_cast %scan3A_405 : i32 to index
      %swap3A_417 = arith.constant 32 : index
      %swap3A_418 = tpu.vector_load %arg13[%swap3A_416, %swap3A_417] {strides = array<i32>} : memref<80x128xf32, #tpu.memory_space<vmem>>, vector<1x16xf32>,
      %swap3A_419 = vector.shape_cast %swap3A_418 : vector<1x16xf32> to vector<16xf32>
      %swap3A_420 = vector.shape_cast %broadcast_in_dim3A_0 : vector<16xf32> to vector<1x16xf32>
      tpu.vector_store %arg13[%swap3A_416, %swap3A_417], %swap3A_420 {strides = array<i32>} : memref<80x128xf32, #tpu.memory_space<vmem>>, vector<1x16xf32>,
      %swap3A_421 = arith.index_cast %scan3A_405 : i32 to index
      %swap3A_422 = arith.constant 48 : index
      %swap3A_423 = tpu.vector_load %arg13[%swap3A_421, %swap3A_422] {strides = array<i32>} : memref<80x128xf32, #tpu.memory_space<vmem>>, vector<1x16xf32>,
      %swap3A_424 = vector.shape_cast %swap3A_423 : vector<1x16xf32> to vector<16xf32>
      %swap3A_425 = vector.shape_cast %broadcast_in_dim3A_0 : vector<16xf32> to vector<1x16xf32>
      tpu.vector_store %arg13[%swap3A_421, %swap3A_422], %swap3A_425 {strides = array<i32>} : memref<80x128xf32, #tpu.memory_space<vmem>>, vector<1x16xf32>,
      %swap3A_426 = arith.index_cast %scan3A_405 : i32 to index
      %swap3A_427 = arith.constant 64 : index
      %swap3A_428 = tpu.vector_load %arg13[%swap3A_426, %swap3A_427] {strides = array<i32>} : memref<80x128xf32, #tpu.memory_space<vmem>>, vector<1x16xf32>,
      %swap3A_429 = vector.shape_cast %swap3A_428 : vector<1x16xf32> to vector<16xf32>
      %swap3A_430 = vector.shape_cast %broadcast_in_dim3A_0 : vector<16xf32> to vector<1x16xf32>
      tpu.vector_store %arg13[%swap3A_426, %swap3A_427], %swap3A_430 {strides = array<i32>} : memref<80x128xf32, #tpu.memory_space<vmem>>, vector<1x16xf32>,
      %swap3A_431 = arith.index_cast %scan3A_405 : i32 to index
      %swap3A_432 = arith.constant 80 : index
      %swap3A_433 = tpu.vector_load %arg13[%swap3A_431, %swap3A_432] {strides = array<i32>} : memref<80x128xf32, #tpu.memory_space<vmem>>, vector<1x16xf32>,
      %swap3A_434 = vector.shape_cast %swap3A_433 : vector<1x16xf32> to vector<16xf32>
      %swap3A_435 = vector.shape_cast %broadcast_in_dim3A_0 : vector<16xf32> to vector<1x16xf32>
      tpu.vector_store %arg13[%swap3A_431, %swap3A_432], %swap3A_435 {strides = array<i32>} : memref<80x128xf32, #tpu.memory_space<vmem>>, vector<1x16xf32>,
      %swap3A_436 = arith.index_cast %scan3A_405 : i32 to index
      %swap3A_437 = arith.constant 96 : index
      %swap3A_438 = tpu.vector_load %arg13[%swap3A_436, %swap3A_437] {strides = array<i32>} : memref<80x128xf32, #tpu.memory_space<vmem>>, vector<1x16xf32>,
      %swap3A_439 = vector.shape_cast %swap3A_438 : vector<1x16xf32> to vector<16xf32>
      %swap3A_440 = vector.shape_cast %broadcast_in_dim3A_0 : vector<16xf32> to vector<1x16xf32>
      tpu.vector_store %arg13[%swap3A_436, %swap3A_437], %swap3A_440 {strides = array<i32>} : memref<80x128xf32, #tpu.memory_space<vmem>>, vector<1x16xf32>,
      %swap3A_441 = arith.index_cast %scan3A_405 : i32 to index
      %swap3A_442 = arith.constant 112 : index
      %swap3A_443 = tpu.vector_load %arg13[%swap3A_441, %swap3A_442] {strides = array<i32>} : memref<80x128xf32, #tpu.memory_space<vmem>>, vector<1x16xf32>,
      %swap3A_444 = vector.shape_cast %swap3A_443 : vector<1x16xf32> to vector<16xf32>
      %swap3A_445 = vector.shape_cast %broadcast_in_dim3A_0 : vector<16xf32> to vector<1x16xf32>
      tpu.vector_store %arg13[%swap3A_441, %swap3A_442], %swap3A_445 {strides = array<i32>} : memref<80x128xf32, #tpu.memory_space<vmem>>, vector<1x16xf32>,
    }
    %scan3A_7 = arith.constant 80 : i32
    %swap3A = arith.constant 0 : i32
    %swap3A_8 = arith.index_cast %swap3A : i32 to index
    %swap3A_9 = arith.constant 0 : index
    %swap3A_10 = tpu.vector_load %arg14[%swap3A_8, %swap3A_9] {strides = array<i32>} : memref<8x128xf32, #tpu.memory_space<vmem>>, vector<1x16xf32>,
    %swap3A_11 = vector.shape_cast %swap3A_10 : vector<1x16xf32> to vector<16xf32>
    %swap3A_12 = vector.shape_cast %broadcast_in_dim3A_2 : vector<16xf32> to vector<1x16xf32>
    tpu.vector_store %arg14[%swap3A_8, %swap3A_9], %swap3A_12 {strides = array<i32>} : memref<8x128xf32, #tpu.memory_space<vmem>>, vector<1x16xf32>,
    %swap3A_13 = arith.constant 0 : i32
    %swap3A_14 = arith.index_cast %swap3A_13 : i32 to index
    %swap3A_15 = arith.constant 16 : index
    %swap3A_16 = tpu.vector_load %arg14[%swap3A_14, %swap3A_15] {strides = array<i32>} : memref<8x128xf32, #tpu.memory_space<vmem>>, vector<1x16xf32>,
    %swap3A_17 = vector.shape_cast %swap3A_16 : vector<1x16xf32> to vector<16xf32>
    %swap3A_18 = vector.shape_cast %broadcast_in_dim3A_2 : vector<16xf32> to vector<1x16xf32>
    tpu.vector_store %arg14[%swap3A_14, %swap3A_15], %swap3A_18 {strides = array<i32>} : memref<8x128xf32, #tpu.memory_space<vmem>>, vector<1x16xf32>,
    %swap3A_19 = arith.constant 0 : i32
    %swap3A_20 = arith.index_cast %swap3A_19 : i32 to index
    %swap3A_21 = arith.constant 32 : index
    %swap3A_22 = tpu.vector_load %arg14[%swap3A_20, %swap3A_21] {strides = array<i32>} : memref<8x128xf32, #tpu.memory_space<vmem>>, vector<1x16xf32>,
    %swap3A_23 = vector.shape_cast %swap3A_22 : vector<1x16xf32> to vector<16xf32>
    %swap3A_24 = vector.shape_cast %broadcast_in_dim3A_2 : vector<16xf32> to vector<1x16xf32>
    tpu.vector_store %arg14[%swap3A_20, %swap3A_21], %swap3A_24 {strides = array<i32>} : memref<8x128xf32, #tpu.memory_space<vmem>>, vector<1x16xf32>,
    %swap3A_25 = arith.constant 0 : i32
    %swap3A_26 = arith.index_cast %swap3A_25 : i32 to index
    %swap3A_27 = arith.constant 48 : index
    %swap3A_28 = tpu.vector_load %arg14[%swap3A_26, %swap3A_27] {strides = array<i32>} : memref<8x128xf32, #tpu.memory_space<vmem>>, vector<1x16xf32>,
    %swap3A_29 = vector.shape_cast %swap3A_28 : vector<1x16xf32> to vector<16xf32>
    %swap3A_30 = vector.shape_cast %broadcast_in_dim3A_2 : vector<16xf32> to vector<1x16xf32>
    tpu.vector_store %arg14[%swap3A_26, %swap3A_27], %swap3A_30 {strides = array<i32>} : memref<8x128xf32, #tpu.memory_space<vmem>>, vector<1x16xf32>,
    %swap3A_31 = arith.constant 0 : i32
    %swap3A_32 = arith.index_cast %swap3A_31 : i32 to index
    %swap3A_33 = arith.constant 64 : index
    %swap3A_34 = tpu.vector_load %arg14[%swap3A_32, %swap3A_33] {strides = array<i32>} : memref<8x128xf32, #tpu.memory_space<vmem>>, vector<1x16xf32>,
    %swap3A_35 = vector.shape_cast %swap3A_34 : vector<1x16xf32> to vector<16xf32>
    %swap3A_36 = vector.shape_cast %broadcast_in_dim3A_2 : vector<16xf32> to vector<1x16xf32>
    tpu.vector_store %arg14[%swap3A_32, %swap3A_33], %swap3A_36 {strides = array<i32>} : memref<8x128xf32, #tpu.memory_space<vmem>>, vector<1x16xf32>,
    %swap3A_37 = arith.constant 0 : i32
    %swap3A_38 = arith.index_cast %swap3A_37 : i32 to index
    %swap3A_39 = arith.constant 80 : index
    %swap3A_40 = tpu.vector_load %arg14[%swap3A_38, %swap3A_39] {strides = array<i32>} : memref<8x128xf32, #tpu.memory_space<vmem>>, vector<1x16xf32>,
    %swap3A_41 = vector.shape_cast %swap3A_40 : vector<1x16xf32> to vector<16xf32>
    %swap3A_42 = vector.shape_cast %broadcast_in_dim3A_2 : vector<16xf32> to vector<1x16xf32>
    tpu.vector_store %arg14[%swap3A_38, %swap3A_39], %swap3A_42 {strides = array<i32>} : memref<8x128xf32, #tpu.memory_space<vmem>>, vector<1x16xf32>,
    %swap3A_43 = arith.constant 0 : i32
    %swap3A_44 = arith.index_cast %swap3A_43 : i32 to index
    %swap3A_45 = arith.constant 96 : index
    %swap3A_46 = tpu.vector_load %arg14[%swap3A_44, %swap3A_45] {strides = array<i32>} : memref<8x128xf32, #tpu.memory_space<vmem>>, vector<1x16xf32>,
    %swap3A_47 = vector.shape_cast %swap3A_46 : vector<1x16xf32> to vector<16xf32>
    %swap3A_48 = vector.shape_cast %broadcast_in_dim3A_2 : vector<16xf32> to vector<1x16xf32>
    tpu.vector_store %arg14[%swap3A_44, %swap3A_45], %swap3A_48 {strides = array<i32>} : memref<8x128xf32, #tpu.memory_space<vmem>>, vector<1x16xf32>,
    %swap3A_49 = arith.constant 0 : i32
    %swap3A_50 = arith.index_cast %swap3A_49 : i32 to index
    %swap3A_51 = arith.constant 112 : index
    %swap3A_52 = tpu.vector_load %arg14[%swap3A_50, %swap3A_51] {strides = array<i32>} : memref<8x128xf32, #tpu.memory_space<vmem>>, vector<1x16xf32>,
    %swap3A_53 = vector.shape_cast %swap3A_52 : vector<1x16xf32> to vector<16xf32>
    %swap3A_54 = vector.shape_cast %broadcast_in_dim3A_2 : vector<16xf32> to vector<1x16xf32>
    tpu.vector_store %arg14[%swap3A_50, %swap3A_51], %swap3A_54 {strides = array<i32>} : memref<8x128xf32, #tpu.memory_space<vmem>>, vector<1x16xf32>,
    %swap3A_55 = arith.constant 1 : i32
    %swap3A_56 = arith.index_cast %swap3A_55 : i32 to index
    %swap3A_57 = arith.constant 0 : index
    %swap3A_58 = tpu.vector_load %arg14[%swap3A_56, %swap3A_57] {strides = array<i32>} : memref<8x128xf32, #tpu.memory_space<vmem>>, vector<1x16xf32>,
    %swap3A_59 = vector.shape_cast %swap3A_58 : vector<1x16xf32> to vector<16xf32>
    %swap3A_60 = vector.shape_cast %broadcast_in_dim3A_2 : vector<16xf32> to vector<1x16xf32>
    tpu.vector_store %arg14[%swap3A_56, %swap3A_57], %swap3A_60 {strides = array<i32>} : memref<8x128xf32, #tpu.memory_space<vmem>>, vector<1x16xf32>,
    %swap3A_61 = arith.constant 1 : i32
    %swap3A_62 = arith.index_cast %swap3A_61 : i32 to index
    %swap3A_63 = arith.constant 16 : index
    %swap3A_64 = tpu.vector_load %arg14[%swap3A_62, %swap3A_63] {strides = array<i32>} : memref<8x128xf32, #tpu.memory_space<vmem>>, vector<1x16xf32>,
    %swap3A_65 = vector.shape_cast %swap3A_64 : vector<1x16xf32> to vector<16xf32>
    %swap3A_66 = vector.shape_cast %broadcast_in_dim3A_2 : vector<16xf32> to vector<1x16xf32>
    tpu.vector_store %arg14[%swap3A_62, %swap3A_63], %swap3A_66 {strides = array<i32>} : memref<8x128xf32, #tpu.memory_space<vmem>>, vector<1x16xf32>,
    %swap3A_67 = arith.constant 1 : i32
    %swap3A_68 = arith.index_cast %swap3A_67 : i32 to index
    %swap3A_69 = arith.constant 32 : index
    %swap3A_70 = tpu.vector_load %arg14[%swap3A_68, %swap3A_69] {strides = array<i32>} : memref<8x128xf32, #tpu.memory_space<vmem>>, vector<1x16xf32>,
    %swap3A_71 = vector.shape_cast %swap3A_70 : vector<1x16xf32> to vector<16xf32>
    %swap3A_72 = vector.shape_cast %broadcast_in_dim3A_2 : vector<16xf32> to vector<1x16xf32>
    tpu.vector_store %arg14[%swap3A_68, %swap3A_69], %swap3A_72 {strides = array<i32>} : memref<8x128xf32, #tpu.memory_space<vmem>>, vector<1x16xf32>,
    %swap3A_73 = arith.constant 1 : i32
    %swap3A_74 = arith.index_cast %swap3A_73 : i32 to index
    %swap3A_75 = arith.constant 48 : index
    %swap3A_76 = tpu.vector_load %arg14[%swap3A_74, %swap3A_75] {strides = array<i32>} : memref<8x128xf32, #tpu.memory_space<vmem>>, vector<1x16xf32>,
    %swap3A_77 = vector.shape_cast %swap3A_76 : vector<1x16xf32> to vector<16xf32>
    %swap3A_78 = vector.shape_cast %broadcast_in_dim3A_2 : vector<16xf32> to vector<1x16xf32>
    tpu.vector_store %arg14[%swap3A_74, %swap3A_75], %swap3A_78 {strides = array<i32>} : memref<8x128xf32, #tpu.memory_space<vmem>>, vector<1x16xf32>,
    %swap3A_79 = arith.constant 1 : i32
    %swap3A_80 = arith.index_cast %swap3A_79 : i32 to index
    %swap3A_81 = arith.constant 64 : index
    %swap3A_82 = tpu.vector_load %arg14[%swap3A_80, %swap3A_81] {strides = array<i32>} : memref<8x128xf32, #tpu.memory_space<vmem>>, vector<1x16xf32>,
    %swap3A_83 = vector.shape_cast %swap3A_82 : vector<1x16xf32> to vector<16xf32>
    %swap3A_84 = vector.shape_cast %broadcast_in_dim3A_2 : vector<16xf32> to vector<1x16xf32>
    tpu.vector_store %arg14[%swap3A_80, %swap3A_81], %swap3A_84 {strides = array<i32>} : memref<8x128xf32, #tpu.memory_space<vmem>>, vector<1x16xf32>,
    %swap3A_85 = arith.constant 1 : i32
    %swap3A_86 = arith.index_cast %swap3A_85 : i32 to index
    %swap3A_87 = arith.constant 80 : index
    %swap3A_88 = tpu.vector_load %arg14[%swap3A_86, %swap3A_87] {strides = array<i32>} : memref<8x128xf32, #tpu.memory_space<vmem>>, vector<1x16xf32>,
    %swap3A_89 = vector.shape_cast %swap3A_88 : vector<1x16xf32> to vector<16xf32>
    %swap3A_90 = vector.shape_cast %broadcast_in_dim3A_2 : vector<16xf32> to vector<1x16xf32>
    tpu.vector_store %arg14[%swap3A_86, %swap3A_87], %swap3A_90 {strides = array<i32>} : memref<8x128xf32, #tpu.memory_space<vmem>>, vector<1x16xf32>,
    %swap3A_91 = arith.constant 1 : i32
    %swap3A_92 = arith.index_cast %swap3A_91 : i32 to index
    %swap3A_93 = arith.constant 96 : index
    %swap3A_94 = tpu.vector_load %arg14[%swap3A_92, %swap3A_93] {strides = array<i32>} : memref<8x128xf32, #tpu.memory_space<vmem>>, vector<1x16xf32>,
    %swap3A_95 = vector.shape_cast %swap3A_94 : vector<1x16xf32> to vector<16xf32>
    %swap3A_96 = vector.shape_cast %broadcast_in_dim3A_2 : vector<16xf32> to vector<1x16xf32>
    tpu.vector_store %arg14[%swap3A_92, %swap3A_93], %swap3A_96 {strides = array<i32>} : memref<8x128xf32, #tpu.memory_space<vmem>>, vector<1x16xf32>,
    %swap3A_97 = arith.constant 1 : i32
    %swap3A_98 = arith.index_cast %swap3A_97 : i32 to index
    %swap3A_99 = arith.constant 112 : index
    %swap3A_100 = tpu.vector_load %arg14[%swap3A_98, %swap3A_99] {strides = array<i32>} : memref<8x128xf32, #tpu.memory_space<vmem>>, vector<1x16xf32>,
    %swap3A_101 = vector.shape_cast %swap3A_100 : vector<1x16xf32> to vector<16xf32>
    %swap3A_102 = vector.shape_cast %broadcast_in_dim3A_2 : vector<16xf32> to vector<1x16xf32>
    tpu.vector_store %arg14[%swap3A_98, %swap3A_99], %swap3A_102 {strides = array<i32>} : memref<8x128xf32, #tpu.memory_space<vmem>>, vector<1x16xf32>,
    %swap3A_103 = arith.constant 2 : i32
    %swap3A_104 = arith.index_cast %swap3A_103 : i32 to index
    %swap3A_105 = arith.constant 0 : index
    %swap3A_106 = tpu.vector_load %arg14[%swap3A_104, %swap3A_105] {strides = array<i32>} : memref<8x128xf32, #tpu.memory_space<vmem>>, vector<1x16xf32>,
    %swap3A_107 = vector.shape_cast %swap3A_106 : vector<1x16xf32> to vector<16xf32>
    %swap3A_108 = vector.shape_cast %broadcast_in_dim3A_2 : vector<16xf32> to vector<1x16xf32>
    tpu.vector_store %arg14[%swap3A_104, %swap3A_105], %swap3A_108 {strides = array<i32>} : memref<8x128xf32, #tpu.memory_space<vmem>>, vector<1x16xf32>,
    %swap3A_109 = arith.constant 2 : i32
    %swap3A_110 = arith.index_cast %swap3A_109 : i32 to index
    %swap3A_111 = arith.constant 16 : index
    %swap3A_112 = tpu.vector_load %arg14[%swap3A_110, %swap3A_111] {strides = array<i32>} : memref<8x128xf32, #tpu.memory_space<vmem>>, vector<1x16xf32>,
    %swap3A_113 = vector.shape_cast %swap3A_112 : vector<1x16xf32> to vector<16xf32>
    %swap3A_114 = vector.shape_cast %broadcast_in_dim3A_2 : vector<16xf32> to vector<1x16xf32>
    tpu.vector_store %arg14[%swap3A_110, %swap3A_111], %swap3A_114 {strides = array<i32>} : memref<8x128xf32, #tpu.memory_space<vmem>>, vector<1x16xf32>,
    %swap3A_115 = arith.constant 2 : i32
    %swap3A_116 = arith.index_cast %swap3A_115 : i32 to index
    %swap3A_117 = arith.constant 32 : index
    %swap3A_118 = tpu.vector_load %arg14[%swap3A_116, %swap3A_117] {strides = array<i32>} : memref<8x128xf32, #tpu.memory_space<vmem>>, vector<1x16xf32>,
    %swap3A_119 = vector.shape_cast %swap3A_118 : vector<1x16xf32> to vector<16xf32>
    %swap3A_120 = vector.shape_cast %broadcast_in_dim3A_2 : vector<16xf32> to vector<1x16xf32>
    tpu.vector_store %arg14[%swap3A_116, %swap3A_117], %swap3A_120 {strides = array<i32>} : memref<8x128xf32, #tpu.memory_space<vmem>>, vector<1x16xf32>,
    %swap3A_121 = arith.constant 2 : i32
    %swap3A_122 = arith.index_cast %swap3A_121 : i32 to index
    %swap3A_123 = arith.constant 48 : index
    %swap3A_124 = tpu.vector_load %arg14[%swap3A_122, %swap3A_123] {strides = array<i32>} : memref<8x128xf32, #tpu.memory_space<vmem>>, vector<1x16xf32>,
    %swap3A_125 = vector.shape_cast %swap3A_124 : vector<1x16xf32> to vector<16xf32>
    %swap3A_126 = vector.shape_cast %broadcast_in_dim3A_2 : vector<16xf32> to vector<1x16xf32>
    tpu.vector_store %arg14[%swap3A_122, %swap3A_123], %swap3A_126 {strides = array<i32>} : memref<8x128xf32, #tpu.memory_space<vmem>>, vector<1x16xf32>,
    %swap3A_127 = arith.constant 2 : i32
    %swap3A_128 = arith.index_cast %swap3A_127 : i32 to index
    %swap3A_129 = arith.constant 64 : index
    %swap3A_130 = tpu.vector_load %arg14[%swap3A_128, %swap3A_129] {strides = array<i32>} : memref<8x128xf32, #tpu.memory_space<vmem>>, vector<1x16xf32>,
    %swap3A_131 = vector.shape_cast %swap3A_130 : vector<1x16xf32> to vector<16xf32>
    %swap3A_132 = vector.shape_cast %broadcast_in_dim3A_2 : vector<16xf32> to vector<1x16xf32>
    tpu.vector_store %arg14[%swap3A_128, %swap3A_129], %swap3A_132 {strides = array<i32>} : memref<8x128xf32, #tpu.memory_space<vmem>>, vector<1x16xf32>,
    %swap3A_133 = arith.constant 2 : i32
    %swap3A_134 = arith.index_cast %swap3A_133 : i32 to index
    %swap3A_135 = arith.constant 80 : index
    %swap3A_136 = tpu.vector_load %arg14[%swap3A_134, %swap3A_135] {strides = array<i32>} : memref<8x128xf32, #tpu.memory_space<vmem>>, vector<1x16xf32>,
    %swap3A_137 = vector.shape_cast %swap3A_136 : vector<1x16xf32> to vector<16xf32>
    %swap3A_138 = vector.shape_cast %broadcast_in_dim3A_2 : vector<16xf32> to vector<1x16xf32>
    tpu.vector_store %arg14[%swap3A_134, %swap3A_135], %swap3A_138 {strides = array<i32>} : memref<8x128xf32, #tpu.memory_space<vmem>>, vector<1x16xf32>,
    %swap3A_139 = arith.constant 2 : i32
    %swap3A_140 = arith.index_cast %swap3A_139 : i32 to index
    %swap3A_141 = arith.constant 96 : index
    %swap3A_142 = tpu.vector_load %arg14[%swap3A_140, %swap3A_141] {strides = array<i32>} : memref<8x128xf32, #tpu.memory_space<vmem>>, vector<1x16xf32>,
    %swap3A_143 = vector.shape_cast %swap3A_142 : vector<1x16xf32> to vector<16xf32>
    %swap3A_144 = vector.shape_cast %broadcast_in_dim3A_2 : vector<16xf32> to vector<1x16xf32>
    tpu.vector_store %arg14[%swap3A_140, %swap3A_141], %swap3A_144 {strides = array<i32>} : memref<8x128xf32, #tpu.memory_space<vmem>>, vector<1x16xf32>,
    %swap3A_145 = arith.constant 2 : i32
    %swap3A_146 = arith.index_cast %swap3A_145 : i32 to index
    %swap3A_147 = arith.constant 112 : index
    %swap3A_148 = tpu.vector_load %arg14[%swap3A_146, %swap3A_147] {strides = array<i32>} : memref<8x128xf32, #tpu.memory_space<vmem>>, vector<1x16xf32>,
    %swap3A_149 = vector.shape_cast %swap3A_148 : vector<1x16xf32> to vector<16xf32>
    %swap3A_150 = vector.shape_cast %broadcast_in_dim3A_2 : vector<16xf32> to vector<1x16xf32>
    tpu.vector_store %arg14[%swap3A_146, %swap3A_147], %swap3A_150 {strides = array<i32>} : memref<8x128xf32, #tpu.memory_space<vmem>>, vector<1x16xf32>,
    %swap3A_151 = arith.constant 3 : i32
    %swap3A_152 = arith.index_cast %swap3A_151 : i32 to index
    %swap3A_153 = arith.constant 0 : index
    %swap3A_154 = tpu.vector_load %arg14[%swap3A_152, %swap3A_153] {strides = array<i32>} : memref<8x128xf32, #tpu.memory_space<vmem>>, vector<1x16xf32>,
    %swap3A_155 = vector.shape_cast %swap3A_154 : vector<1x16xf32> to vector<16xf32>
    %swap3A_156 = vector.shape_cast %broadcast_in_dim3A_2 : vector<16xf32> to vector<1x16xf32>
    tpu.vector_store %arg14[%swap3A_152, %swap3A_153], %swap3A_156 {strides = array<i32>} : memref<8x128xf32, #tpu.memory_space<vmem>>, vector<1x16xf32>,
    %swap3A_157 = arith.constant 3 : i32
    %swap3A_158 = arith.index_cast %swap3A_157 : i32 to index
    %swap3A_159 = arith.constant 16 : index
    %swap3A_160 = tpu.vector_load %arg14[%swap3A_158, %swap3A_159] {strides = array<i32>} : memref<8x128xf32, #tpu.memory_space<vmem>>, vector<1x16xf32>,
    %swap3A_161 = vector.shape_cast %swap3A_160 : vector<1x16xf32> to vector<16xf32>
    %swap3A_162 = vector.shape_cast %broadcast_in_dim3A_2 : vector<16xf32> to vector<1x16xf32>
    tpu.vector_store %arg14[%swap3A_158, %swap3A_159], %swap3A_162 {strides = array<i32>} : memref<8x128xf32, #tpu.memory_space<vmem>>, vector<1x16xf32>,
    %swap3A_163 = arith.constant 3 : i32
    %swap3A_164 = arith.index_cast %swap3A_163 : i32 to index
    %swap3A_165 = arith.constant 32 : index
    %swap3A_166 = tpu.vector_load %arg14[%swap3A_164, %swap3A_165] {strides = array<i32>} : memref<8x128xf32, #tpu.memory_space<vmem>>, vector<1x16xf32>,
    %swap3A_167 = vector.shape_cast %swap3A_166 : vector<1x16xf32> to vector<16xf32>
    %swap3A_168 = vector.shape_cast %broadcast_in_dim3A_2 : vector<16xf32> to vector<1x16xf32>
    tpu.vector_store %arg14[%swap3A_164, %swap3A_165], %swap3A_168 {strides = array<i32>} : memref<8x128xf32, #tpu.memory_space<vmem>>, vector<1x16xf32>,
    %swap3A_169 = arith.constant 3 : i32
    %swap3A_170 = arith.index_cast %swap3A_169 : i32 to index
    %swap3A_171 = arith.constant 48 : index
    %swap3A_172 = tpu.vector_load %arg14[%swap3A_170, %swap3A_171] {strides = array<i32>} : memref<8x128xf32, #tpu.memory_space<vmem>>, vector<1x16xf32>,
    %swap3A_173 = vector.shape_cast %swap3A_172 : vector<1x16xf32> to vector<16xf32>
    %swap3A_174 = vector.shape_cast %broadcast_in_dim3A_2 : vector<16xf32> to vector<1x16xf32>
    tpu.vector_store %arg14[%swap3A_170, %swap3A_171], %swap3A_174 {strides = array<i32>} : memref<8x128xf32, #tpu.memory_space<vmem>>, vector<1x16xf32>,
    %swap3A_175 = arith.constant 3 : i32
    %swap3A_176 = arith.index_cast %swap3A_175 : i32 to index
    %swap3A_177 = arith.constant 64 : index
    %swap3A_178 = tpu.vector_load %arg14[%swap3A_176, %swap3A_177] {strides = array<i32>} : memref<8x128xf32, #tpu.memory_space<vmem>>, vector<1x16xf32>,
    %swap3A_179 = vector.shape_cast %swap3A_178 : vector<1x16xf32> to vector<16xf32>
    %swap3A_180 = vector.shape_cast %broadcast_in_dim3A_2 : vector<16xf32> to vector<1x16xf32>
    tpu.vector_store %arg14[%swap3A_176, %swap3A_177], %swap3A_180 {strides = array<i32>} : memref<8x128xf32, #tpu.memory_space<vmem>>, vector<1x16xf32>,
    %swap3A_181 = arith.constant 3 : i32
    %swap3A_182 = arith.index_cast %swap3A_181 : i32 to index
    %swap3A_183 = arith.constant 80 : index
    %swap3A_184 = tpu.vector_load %arg14[%swap3A_182, %swap3A_183] {strides = array<i32>} : memref<8x128xf32, #tpu.memory_space<vmem>>, vector<1x16xf32>,
    %swap3A_185 = vector.shape_cast %swap3A_184 : vector<1x16xf32> to vector<16xf32>
    %swap3A_186 = vector.shape_cast %broadcast_in_dim3A_2 : vector<16xf32> to vector<1x16xf32>
    tpu.vector_store %arg14[%swap3A_182, %swap3A_183], %swap3A_186 {strides = array<i32>} : memref<8x128xf32, #tpu.memory_space<vmem>>, vector<1x16xf32>,
    %swap3A_187 = arith.constant 3 : i32
    %swap3A_188 = arith.index_cast %swap3A_187 : i32 to index
    %swap3A_189 = arith.constant 96 : index
    %swap3A_190 = tpu.vector_load %arg14[%swap3A_188, %swap3A_189] {strides = array<i32>} : memref<8x128xf32, #tpu.memory_space<vmem>>, vector<1x16xf32>,
    %swap3A_191 = vector.shape_cast %swap3A_190 : vector<1x16xf32> to vector<16xf32>
    %swap3A_192 = vector.shape_cast %broadcast_in_dim3A_2 : vector<16xf32> to vector<1x16xf32>
    tpu.vector_store %arg14[%swap3A_188, %swap3A_189], %swap3A_192 {strides = array<i32>} : memref<8x128xf32, #tpu.memory_space<vmem>>, vector<1x16xf32>,
    %swap3A_193 = arith.constant 3 : i32
    %swap3A_194 = arith.index_cast %swap3A_193 : i32 to index
    %swap3A_195 = arith.constant 112 : index
    %swap3A_196 = tpu.vector_load %arg14[%swap3A_194, %swap3A_195] {strides = array<i32>} : memref<8x128xf32, #tpu.memory_space<vmem>>, vector<1x16xf32>,
    %swap3A_197 = vector.shape_cast %swap3A_196 : vector<1x16xf32> to vector<16xf32>
    %swap3A_198 = vector.shape_cast %broadcast_in_dim3A_2 : vector<16xf32> to vector<1x16xf32>
    tpu.vector_store %arg14[%swap3A_194, %swap3A_195], %swap3A_198 {strides = array<i32>} : memref<8x128xf32, #tpu.memory_space<vmem>>, vector<1x16xf32>,
    %swap3A_199 = arith.constant 4 : i32
    %swap3A_200 = arith.index_cast %swap3A_199 : i32 to index
    %swap3A_201 = arith.constant 0 : index
    %swap3A_202 = tpu.vector_load %arg14[%swap3A_200, %swap3A_201] {strides = array<i32>} : memref<8x128xf32, #tpu.memory_space<vmem>>, vector<1x16xf32>,
    %swap3A_203 = vector.shape_cast %swap3A_202 : vector<1x16xf32> to vector<16xf32>
    %swap3A_204 = vector.shape_cast %broadcast_in_dim3A_2 : vector<16xf32> to vector<1x16xf32>
    tpu.vector_store %arg14[%swap3A_200, %swap3A_201], %swap3A_204 {strides = array<i32>} : memref<8x128xf32, #tpu.memory_space<vmem>>, vector<1x16xf32>,
    %swap3A_205 = arith.constant 4 : i32
    %swap3A_206 = arith.index_cast %swap3A_205 : i32 to index
    %swap3A_207 = arith.constant 16 : index
    %swap3A_208 = tpu.vector_load %arg14[%swap3A_206, %swap3A_207] {strides = array<i32>} : memref<8x128xf32, #tpu.memory_space<vmem>>, vector<1x16xf32>,
    %swap3A_209 = vector.shape_cast %swap3A_208 : vector<1x16xf32> to vector<16xf32>
    %swap3A_210 = vector.shape_cast %broadcast_in_dim3A_2 : vector<16xf32> to vector<1x16xf32>
    tpu.vector_store %arg14[%swap3A_206, %swap3A_207], %swap3A_210 {strides = array<i32>} : memref<8x128xf32, #tpu.memory_space<vmem>>, vector<1x16xf32>,
    %swap3A_211 = arith.constant 4 : i32
    %swap3A_212 = arith.index_cast %swap3A_211 : i32 to index
    %swap3A_213 = arith.constant 32 : index
    %swap3A_214 = tpu.vector_load %arg14[%swap3A_212, %swap3A_213] {strides = array<i32>} : memref<8x128xf32, #tpu.memory_space<vmem>>, vector<1x16xf32>,
    %swap3A_215 = vector.shape_cast %swap3A_214 : vector<1x16xf32> to vector<16xf32>
    %swap3A_216 = vector.shape_cast %broadcast_in_dim3A_2 : vector<16xf32> to vector<1x16xf32>
    tpu.vector_store %arg14[%swap3A_212, %swap3A_213], %swap3A_216 {strides = array<i32>} : memref<8x128xf32, #tpu.memory_space<vmem>>, vector<1x16xf32>,
    %swap3A_217 = arith.constant 4 : i32
    %swap3A_218 = arith.index_cast %swap3A_217 : i32 to index
    %swap3A_219 = arith.constant 48 : index
    %swap3A_220 = tpu.vector_load %arg14[%swap3A_218, %swap3A_219] {strides = array<i32>} : memref<8x128xf32, #tpu.memory_space<vmem>>, vector<1x16xf32>,
    %swap3A_221 = vector.shape_cast %swap3A_220 : vector<1x16xf32> to vector<16xf32>
    %swap3A_222 = vector.shape_cast %broadcast_in_dim3A_2 : vector<16xf32> to vector<1x16xf32>
    tpu.vector_store %arg14[%swap3A_218, %swap3A_219], %swap3A_222 {strides = array<i32>} : memref<8x128xf32, #tpu.memory_space<vmem>>, vector<1x16xf32>,
    %swap3A_223 = arith.constant 4 : i32
    %swap3A_224 = arith.index_cast %swap3A_223 : i32 to index
    %swap3A_225 = arith.constant 64 : index
    %swap3A_226 = tpu.vector_load %arg14[%swap3A_224, %swap3A_225] {strides = array<i32>} : memref<8x128xf32, #tpu.memory_space<vmem>>, vector<1x16xf32>,
    %swap3A_227 = vector.shape_cast %swap3A_226 : vector<1x16xf32> to vector<16xf32>
    %swap3A_228 = vector.shape_cast %broadcast_in_dim3A_2 : vector<16xf32> to vector<1x16xf32>
    tpu.vector_store %arg14[%swap3A_224, %swap3A_225], %swap3A_228 {strides = array<i32>} : memref<8x128xf32, #tpu.memory_space<vmem>>, vector<1x16xf32>,
    %swap3A_229 = arith.constant 4 : i32
    %swap3A_230 = arith.index_cast %swap3A_229 : i32 to index
    %swap3A_231 = arith.constant 80 : index
    %swap3A_232 = tpu.vector_load %arg14[%swap3A_230, %swap3A_231] {strides = array<i32>} : memref<8x128xf32, #tpu.memory_space<vmem>>, vector<1x16xf32>,
    %swap3A_233 = vector.shape_cast %swap3A_232 : vector<1x16xf32> to vector<16xf32>
    %swap3A_234 = vector.shape_cast %broadcast_in_dim3A_2 : vector<16xf32> to vector<1x16xf32>
    tpu.vector_store %arg14[%swap3A_230, %swap3A_231], %swap3A_234 {strides = array<i32>} : memref<8x128xf32, #tpu.memory_space<vmem>>, vector<1x16xf32>,
    %swap3A_235 = arith.constant 4 : i32
    %swap3A_236 = arith.index_cast %swap3A_235 : i32 to index
    %swap3A_237 = arith.constant 96 : index
    %swap3A_238 = tpu.vector_load %arg14[%swap3A_236, %swap3A_237] {strides = array<i32>} : memref<8x128xf32, #tpu.memory_space<vmem>>, vector<1x16xf32>,
    %swap3A_239 = vector.shape_cast %swap3A_238 : vector<1x16xf32> to vector<16xf32>
    %swap3A_240 = vector.shape_cast %broadcast_in_dim3A_2 : vector<16xf32> to vector<1x16xf32>
    tpu.vector_store %arg14[%swap3A_236, %swap3A_237], %swap3A_240 {strides = array<i32>} : memref<8x128xf32, #tpu.memory_space<vmem>>, vector<1x16xf32>,
    %swap3A_241 = arith.constant 4 : i32
    %swap3A_242 = arith.index_cast %swap3A_241 : i32 to index
    %swap3A_243 = arith.constant 112 : index
    %swap3A_244 = tpu.vector_load %arg14[%swap3A_242, %swap3A_243] {strides = array<i32>} : memref<8x128xf32, #tpu.memory_space<vmem>>, vector<1x16xf32>,
    %swap3A_245 = vector.shape_cast %swap3A_244 : vector<1x16xf32> to vector<16xf32>
    %swap3A_246 = vector.shape_cast %broadcast_in_dim3A_2 : vector<16xf32> to vector<1x16xf32>
    tpu.vector_store %arg14[%swap3A_242, %swap3A_243], %swap3A_246 {strides = array<i32>} : memref<8x128xf32, #tpu.memory_space<vmem>>, vector<1x16xf32>,
    %swap3A_247 = arith.constant 5 : i32
    %swap3A_248 = arith.index_cast %swap3A_247 : i32 to index
    %swap3A_249 = arith.constant 0 : index
    %swap3A_250 = tpu.vector_load %arg14[%swap3A_248, %swap3A_249] {strides = array<i32>} : memref<8x128xf32, #tpu.memory_space<vmem>>, vector<1x16xf32>,
    %swap3A_251 = vector.shape_cast %swap3A_250 : vector<1x16xf32> to vector<16xf32>
    %swap3A_252 = vector.shape_cast %broadcast_in_dim3A_2 : vector<16xf32> to vector<1x16xf32>
    tpu.vector_store %arg14[%swap3A_248, %swap3A_249], %swap3A_252 {strides = array<i32>} : memref<8x128xf32, #tpu.memory_space<vmem>>, vector<1x16xf32>,
    %swap3A_253 = arith.constant 5 : i32
    %swap3A_254 = arith.index_cast %swap3A_253 : i32 to index
    %swap3A_255 = arith.constant 16 : index
    %swap3A_256 = tpu.vector_load %arg14[%swap3A_254, %swap3A_255] {strides = array<i32>} : memref<8x128xf32, #tpu.memory_space<vmem>>, vector<1x16xf32>,
    %swap3A_257 = vector.shape_cast %swap3A_256 : vector<1x16xf32> to vector<16xf32>
    %swap3A_258 = vector.shape_cast %broadcast_in_dim3A_2 : vector<16xf32> to vector<1x16xf32>
    tpu.vector_store %arg14[%swap3A_254, %swap3A_255], %swap3A_258 {strides = array<i32>} : memref<8x128xf32, #tpu.memory_space<vmem>>, vector<1x16xf32>,
    %swap3A_259 = arith.constant 5 : i32
    %swap3A_260 = arith.index_cast %swap3A_259 : i32 to index
    %swap3A_261 = arith.constant 32 : index
    %swap3A_262 = tpu.vector_load %arg14[%swap3A_260, %swap3A_261] {strides = array<i32>} : memref<8x128xf32, #tpu.memory_space<vmem>>, vector<1x16xf32>,
    %swap3A_263 = vector.shape_cast %swap3A_262 : vector<1x16xf32> to vector<16xf32>
    %swap3A_264 = vector.shape_cast %broadcast_in_dim3A_2 : vector<16xf32> to vector<1x16xf32>
    tpu.vector_store %arg14[%swap3A_260, %swap3A_261], %swap3A_264 {strides = array<i32>} : memref<8x128xf32, #tpu.memory_space<vmem>>, vector<1x16xf32>,
    %swap3A_265 = arith.constant 5 : i32
    %swap3A_266 = arith.index_cast %swap3A_265 : i32 to index
    %swap3A_267 = arith.constant 48 : index
    %swap3A_268 = tpu.vector_load %arg14[%swap3A_266, %swap3A_267] {strides = array<i32>} : memref<8x128xf32, #tpu.memory_space<vmem>>, vector<1x16xf32>,
    %swap3A_269 = vector.shape_cast %swap3A_268 : vector<1x16xf32> to vector<16xf32>
    %swap3A_270 = vector.shape_cast %broadcast_in_dim3A_2 : vector<16xf32> to vector<1x16xf32>
    tpu.vector_store %arg14[%swap3A_266, %swap3A_267], %swap3A_270 {strides = array<i32>} : memref<8x128xf32, #tpu.memory_space<vmem>>, vector<1x16xf32>,
    %swap3A_271 = arith.constant 5 : i32
    %swap3A_272 = arith.index_cast %swap3A_271 : i32 to index
    %swap3A_273 = arith.constant 64 : index
    %swap3A_274 = tpu.vector_load %arg14[%swap3A_272, %swap3A_273] {strides = array<i32>} : memref<8x128xf32, #tpu.memory_space<vmem>>, vector<1x16xf32>,
    %swap3A_275 = vector.shape_cast %swap3A_274 : vector<1x16xf32> to vector<16xf32>
    %swap3A_276 = vector.shape_cast %broadcast_in_dim3A_2 : vector<16xf32> to vector<1x16xf32>
    tpu.vector_store %arg14[%swap3A_272, %swap3A_273], %swap3A_276 {strides = array<i32>} : memref<8x128xf32, #tpu.memory_space<vmem>>, vector<1x16xf32>,
    %swap3A_277 = arith.constant 5 : i32
    %swap3A_278 = arith.index_cast %swap3A_277 : i32 to index
    %swap3A_279 = arith.constant 80 : index
    %swap3A_280 = tpu.vector_load %arg14[%swap3A_278, %swap3A_279] {strides = array<i32>} : memref<8x128xf32, #tpu.memory_space<vmem>>, vector<1x16xf32>,
    %swap3A_281 = vector.shape_cast %swap3A_280 : vector<1x16xf32> to vector<16xf32>
    %swap3A_282 = vector.shape_cast %broadcast_in_dim3A_2 : vector<16xf32> to vector<1x16xf32>
    tpu.vector_store %arg14[%swap3A_278, %swap3A_279], %swap3A_282 {strides = array<i32>} : memref<8x128xf32, #tpu.memory_space<vmem>>, vector<1x16xf32>,
    %swap3A_283 = arith.constant 5 : i32
    %swap3A_284 = arith.index_cast %swap3A_283 : i32 to index
    %swap3A_285 = arith.constant 96 : index
    %swap3A_286 = tpu.vector_load %arg14[%swap3A_284, %swap3A_285] {strides = array<i32>} : memref<8x128xf32, #tpu.memory_space<vmem>>, vector<1x16xf32>,
    %swap3A_287 = vector.shape_cast %swap3A_286 : vector<1x16xf32> to vector<16xf32>
    %swap3A_288 = vector.shape_cast %broadcast_in_dim3A_2 : vector<16xf32> to vector<1x16xf32>
    tpu.vector_store %arg14[%swap3A_284, %swap3A_285], %swap3A_288 {strides = array<i32>} : memref<8x128xf32, #tpu.memory_space<vmem>>, vector<1x16xf32>,
    %swap3A_289 = arith.constant 5 : i32
    %swap3A_290 = arith.index_cast %swap3A_289 : i32 to index
    %swap3A_291 = arith.constant 112 : index
    %swap3A_292 = tpu.vector_load %arg14[%swap3A_290, %swap3A_291] {strides = array<i32>} : memref<8x128xf32, #tpu.memory_space<vmem>>, vector<1x16xf32>,
    %swap3A_293 = vector.shape_cast %swap3A_292 : vector<1x16xf32> to vector<16xf32>
    %swap3A_294 = vector.shape_cast %broadcast_in_dim3A_2 : vector<16xf32> to vector<1x16xf32>
    tpu.vector_store %arg14[%swap3A_290, %swap3A_291], %swap3A_294 {strides = array<i32>} : memref<8x128xf32, #tpu.memory_space<vmem>>, vector<1x16xf32>,
    %swap3A_295 = arith.constant 6 : i32
    %swap3A_296 = arith.index_cast %swap3A_295 : i32 to index
    %swap3A_297 = arith.constant 0 : index
    %swap3A_298 = tpu.vector_load %arg14[%swap3A_296, %swap3A_297] {strides = array<i32>} : memref<8x128xf32, #tpu.memory_space<vmem>>, vector<1x16xf32>,
    %swap3A_299 = vector.shape_cast %swap3A_298 : vector<1x16xf32> to vector<16xf32>
    %swap3A_300 = vector.shape_cast %broadcast_in_dim3A_2 : vector<16xf32> to vector<1x16xf32>
    tpu.vector_store %arg14[%swap3A_296, %swap3A_297], %swap3A_300 {strides = array<i32>} : memref<8x128xf32, #tpu.memory_space<vmem>>, vector<1x16xf32>,
    %swap3A_301 = arith.constant 6 : i32
    %swap3A_302 = arith.index_cast %swap3A_301 : i32 to index
    %swap3A_303 = arith.constant 16 : index
    %swap3A_304 = tpu.vector_load %arg14[%swap3A_302, %swap3A_303] {strides = array<i32>} : memref<8x128xf32, #tpu.memory_space<vmem>>, vector<1x16xf32>,
    %swap3A_305 = vector.shape_cast %swap3A_304 : vector<1x16xf32> to vector<16xf32>
    %swap3A_306 = vector.shape_cast %broadcast_in_dim3A_2 : vector<16xf32> to vector<1x16xf32>
    tpu.vector_store %arg14[%swap3A_302, %swap3A_303], %swap3A_306 {strides = array<i32>} : memref<8x128xf32, #tpu.memory_space<vmem>>, vector<1x16xf32>,
    %swap3A_307 = arith.constant 6 : i32
    %swap3A_308 = arith.index_cast %swap3A_307 : i32 to index
    %swap3A_309 = arith.constant 32 : index
    %swap3A_310 = tpu.vector_load %arg14[%swap3A_308, %swap3A_309] {strides = array<i32>} : memref<8x128xf32, #tpu.memory_space<vmem>>, vector<1x16xf32>,
    %swap3A_311 = vector.shape_cast %swap3A_310 : vector<1x16xf32> to vector<16xf32>
    %swap3A_312 = vector.shape_cast %broadcast_in_dim3A_2 : vector<16xf32> to vector<1x16xf32>
    tpu.vector_store %arg14[%swap3A_308, %swap3A_309], %swap3A_312 {strides = array<i32>} : memref<8x128xf32, #tpu.memory_space<vmem>>, vector<1x16xf32>,
    %swap3A_313 = arith.constant 6 : i32
    %swap3A_314 = arith.index_cast %swap3A_313 : i32 to index
    %swap3A_315 = arith.constant 48 : index
    %swap3A_316 = tpu.vector_load %arg14[%swap3A_314, %swap3A_315] {strides = array<i32>} : memref<8x128xf32, #tpu.memory_space<vmem>>, vector<1x16xf32>,
    %swap3A_317 = vector.shape_cast %swap3A_316 : vector<1x16xf32> to vector<16xf32>
    %swap3A_318 = vector.shape_cast %broadcast_in_dim3A_2 : vector<16xf32> to vector<1x16xf32>
    tpu.vector_store %arg14[%swap3A_314, %swap3A_315], %swap3A_318 {strides = array<i32>} : memref<8x128xf32, #tpu.memory_space<vmem>>, vector<1x16xf32>,
    %swap3A_319 = arith.constant 6 : i32
    %swap3A_320 = arith.index_cast %swap3A_319 : i32 to index
    %swap3A_321 = arith.constant 64 : index
    %swap3A_322 = tpu.vector_load %arg14[%swap3A_320, %swap3A_321] {strides = array<i32>} : memref<8x128xf32, #tpu.memory_space<vmem>>, vector<1x16xf32>,
    %swap3A_323 = vector.shape_cast %swap3A_322 : vector<1x16xf32> to vector<16xf32>
    %swap3A_324 = vector.shape_cast %broadcast_in_dim3A_2 : vector<16xf32> to vector<1x16xf32>
    tpu.vector_store %arg14[%swap3A_320, %swap3A_321], %swap3A_324 {strides = array<i32>} : memref<8x128xf32, #tpu.memory_space<vmem>>, vector<1x16xf32>,
    %swap3A_325 = arith.constant 6 : i32
    %swap3A_326 = arith.index_cast %swap3A_325 : i32 to index
    %swap3A_327 = arith.constant 80 : index
    %swap3A_328 = tpu.vector_load %arg14[%swap3A_326, %swap3A_327] {strides = array<i32>} : memref<8x128xf32, #tpu.memory_space<vmem>>, vector<1x16xf32>,
    %swap3A_329 = vector.shape_cast %swap3A_328 : vector<1x16xf32> to vector<16xf32>
    %swap3A_330 = vector.shape_cast %broadcast_in_dim3A_2 : vector<16xf32> to vector<1x16xf32>
    tpu.vector_store %arg14[%swap3A_326, %swap3A_327], %swap3A_330 {strides = array<i32>} : memref<8x128xf32, #tpu.memory_space<vmem>>, vector<1x16xf32>,
    %swap3A_331 = arith.constant 6 : i32
    %swap3A_332 = arith.index_cast %swap3A_331 : i32 to index
    %swap3A_333 = arith.constant 96 : index
    %swap3A_334 = tpu.vector_load %arg14[%swap3A_332, %swap3A_333] {strides = array<i32>} : memref<8x128xf32, #tpu.memory_space<vmem>>, vector<1x16xf32>,
    %swap3A_335 = vector.shape_cast %swap3A_334 : vector<1x16xf32> to vector<16xf32>
    %swap3A_336 = vector.shape_cast %broadcast_in_dim3A_2 : vector<16xf32> to vector<1x16xf32>
    tpu.vector_store %arg14[%swap3A_332, %swap3A_333], %swap3A_336 {strides = array<i32>} : memref<8x128xf32, #tpu.memory_space<vmem>>, vector<1x16xf32>,
    %swap3A_337 = arith.constant 6 : i32
    %swap3A_338 = arith.index_cast %swap3A_337 : i32 to index
    %swap3A_339 = arith.constant 112 : index
    %swap3A_340 = tpu.vector_load %arg14[%swap3A_338, %swap3A_339] {strides = array<i32>} : memref<8x128xf32, #tpu.memory_space<vmem>>, vector<1x16xf32>,
    %swap3A_341 = vector.shape_cast %swap3A_340 : vector<1x16xf32> to vector<16xf32>
    %swap3A_342 = vector.shape_cast %broadcast_in_dim3A_2 : vector<16xf32> to vector<1x16xf32>
    tpu.vector_store %arg14[%swap3A_338, %swap3A_339], %swap3A_342 {strides = array<i32>} : memref<8x128xf32, #tpu.memory_space<vmem>>, vector<1x16xf32>,
    %swap3A_343 = arith.constant 7 : i32
    %swap3A_344 = arith.index_cast %swap3A_343 : i32 to index
    %swap3A_345 = arith.constant 0 : index
    %swap3A_346 = tpu.vector_load %arg14[%swap3A_344, %swap3A_345] {strides = array<i32>} : memref<8x128xf32, #tpu.memory_space<vmem>>, vector<1x16xf32>,
    %swap3A_347 = vector.shape_cast %swap3A_346 : vector<1x16xf32> to vector<16xf32>
    %swap3A_348 = vector.shape_cast %broadcast_in_dim3A_2 : vector<16xf32> to vector<1x16xf32>
    tpu.vector_store %arg14[%swap3A_344, %swap3A_345], %swap3A_348 {strides = array<i32>} : memref<8x128xf32, #tpu.memory_space<vmem>>, vector<1x16xf32>,
    %swap3A_349 = arith.constant 7 : i32
    %swap3A_350 = arith.index_cast %swap3A_349 : i32 to index
    %swap3A_351 = arith.constant 16 : index
    %swap3A_352 = tpu.vector_load %arg14[%swap3A_350, %swap3A_351] {strides = array<i32>} : memref<8x128xf32, #tpu.memory_space<vmem>>, vector<1x16xf32>,
    %swap3A_353 = vector.shape_cast %swap3A_352 : vector<1x16xf32> to vector<16xf32>
    %swap3A_354 = vector.shape_cast %broadcast_in_dim3A_2 : vector<16xf32> to vector<1x16xf32>
    tpu.vector_store %arg14[%swap3A_350, %swap3A_351], %swap3A_354 {strides = array<i32>} : memref<8x128xf32, #tpu.memory_space<vmem>>, vector<1x16xf32>,
    %swap3A_355 = arith.constant 7 : i32
    %swap3A_356 = arith.index_cast %swap3A_355 : i32 to index
    %swap3A_357 = arith.constant 32 : index
    %swap3A_358 = tpu.vector_load %arg14[%swap3A_356, %swap3A_357] {strides = array<i32>} : memref<8x128xf32, #tpu.memory_space<vmem>>, vector<1x16xf32>,
    %swap3A_359 = vector.shape_cast %swap3A_358 : vector<1x16xf32> to vector<16xf32>
    %swap3A_360 = vector.shape_cast %broadcast_in_dim3A_2 : vector<16xf32> to vector<1x16xf32>
    tpu.vector_store %arg14[%swap3A_356, %swap3A_357], %swap3A_360 {strides = array<i32>} : memref<8x128xf32, #tpu.memory_space<vmem>>, vector<1x16xf32>,
    %swap3A_361 = arith.constant 7 : i32
    %swap3A_362 = arith.index_cast %swap3A_361 : i32 to index
    %swap3A_363 = arith.constant 48 : index
    %swap3A_364 = tpu.vector_load %arg14[%swap3A_362, %swap3A_363] {strides = array<i32>} : memref<8x128xf32, #tpu.memory_space<vmem>>, vector<1x16xf32>,
    %swap3A_365 = vector.shape_cast %swap3A_364 : vector<1x16xf32> to vector<16xf32>
    %swap3A_366 = vector.shape_cast %broadcast_in_dim3A_2 : vector<16xf32> to vector<1x16xf32>
    tpu.vector_store %arg14[%swap3A_362, %swap3A_363], %swap3A_366 {strides = array<i32>} : memref<8x128xf32, #tpu.memory_space<vmem>>, vector<1x16xf32>,
    %swap3A_367 = arith.constant 7 : i32
    %swap3A_368 = arith.index_cast %swap3A_367 : i32 to index
    %swap3A_369 = arith.constant 64 : index
    %swap3A_370 = tpu.vector_load %arg14[%swap3A_368, %swap3A_369] {strides = array<i32>} : memref<8x128xf32, #tpu.memory_space<vmem>>, vector<1x16xf32>,
    %swap3A_371 = vector.shape_cast %swap3A_370 : vector<1x16xf32> to vector<16xf32>
    %swap3A_372 = vector.shape_cast %broadcast_in_dim3A_2 : vector<16xf32> to vector<1x16xf32>
    tpu.vector_store %arg14[%swap3A_368, %swap3A_369], %swap3A_372 {strides = array<i32>} : memref<8x128xf32, #tpu.memory_space<vmem>>, vector<1x16xf32>,
    %swap3A_373 = arith.constant 7 : i32
    %swap3A_374 = arith.index_cast %swap3A_373 : i32 to index
    %swap3A_375 = arith.constant 80 : index
    %swap3A_376 = tpu.vector_load %arg14[%swap3A_374, %swap3A_375] {strides = array<i32>} : memref<8x128xf32, #tpu.memory_space<vmem>>, vector<1x16xf32>,
    %swap3A_377 = vector.shape_cast %swap3A_376 : vector<1x16xf32> to vector<16xf32>
    %swap3A_378 = vector.shape_cast %broadcast_in_dim3A_2 : vector<16xf32> to vector<1x16xf32>
    tpu.vector_store %arg14[%swap3A_374, %swap3A_375], %swap3A_378 {strides = array<i32>} : memref<8x128xf32, #tpu.memory_space<vmem>>, vector<1x16xf32>,
    %swap3A_379 = arith.constant 7 : i32
    %swap3A_380 = arith.index_cast %swap3A_379 : i32 to index
    %swap3A_381 = arith.constant 96 : index
    %swap3A_382 = tpu.vector_load %arg14[%swap3A_380, %swap3A_381] {strides = array<i32>} : memref<8x128xf32, #tpu.memory_space<vmem>>, vector<1x16xf32>,
    %swap3A_383 = vector.shape_cast %swap3A_382 : vector<1x16xf32> to vector<16xf32>
    %swap3A_384 = vector.shape_cast %broadcast_in_dim3A_2 : vector<16xf32> to vector<1x16xf32>
    tpu.vector_store %arg14[%swap3A_380, %swap3A_381], %swap3A_384 {strides = array<i32>} : memref<8x128xf32, #tpu.memory_space<vmem>>, vector<1x16xf32>,
    %swap3A_385 = arith.constant 7 : i32
    %swap3A_386 = arith.index_cast %swap3A_385 : i32 to index
    %swap3A_387 = arith.constant 112 : index
    %swap3A_388 = tpu.vector_load %arg14[%swap3A_386, %swap3A_387] {strides = array<i32>} : memref<8x128xf32, #tpu.memory_space<vmem>>, vector<1x16xf32>,
    %swap3A_389 = vector.shape_cast %swap3A_388 : vector<1x16xf32> to vector<16xf32>
    %swap3A_390 = vector.shape_cast %broadcast_in_dim3A_2 : vector<16xf32> to vector<1x16xf32>
    tpu.vector_store %arg14[%swap3A_386, %swap3A_387], %swap3A_390 {strides = array<i32>} : memref<8x128xf32, #tpu.memory_space<vmem>>, vector<1x16xf32>,
    %lt3A = arith.constant 8 : i32
    %lt3A_391 = arith.cmpi slt, %arg1, %lt3A : i32
    %convert_element_type3A = arith.extui %lt3A_391 : i1 to i32
    %cond3A = arith.constant 0 : i32
    %cond3A_392 = arith.cmpi ne, %convert_element_type3A, %cond3A : i32
    scf.if %cond3A_392 {
      %mul3A = arith.constant 8 : i32
      %mul3A_405 = arith.muli %mul3A, %arg1 : i32
      "tpu.region"() ({
        %run_scoped3A = tpu.sem_alloc : memref<!tpu.dma_semaphore, #tpu.memory_space<semaphore_mem>>
        %dma_start3A = arith.constant 0 : i32
        %dma_start3A_410 = tpu.memref_slice %arg18[%mul3A_405, %dma_start3A] : memref<64x128xf32, #tpu.memory_space<vmem_shared>> -> memref<8x128xf32, #tpu.memory_space<vmem_shared>>
        %dma_start3A_411 = arith.constant 0 : i32
        %dma_start3A_412 = tpu.memref_slice %arg18[%mul3A_405, %dma_start3A_411] : memref<64x128xf32, #tpu.memory_space<vmem_shared>> -> memref<8x128xf32, #tpu.memory_space<vmem_shared>>
        tpu.enqueue_dma source(%arg14 : memref<8x128xf32, #tpu.memory_space<vmem>>) target(%dma_start3A_412 : memref<8x128xf32, #tpu.memory_space<vmem_shared>>) target_semaphore(%run_scoped3A : memref<!tpu.dma_semaphore, #tpu.memory_space<semaphore_mem>>)
        %dma_wait3A = arith.constant 0 : i32
        %dma_wait3A_413 = tpu.memref_slice %arg18[%mul3A_405, %dma_wait3A] : memref<64x128xf32, #tpu.memory_space<vmem_shared>> -> memref<8x128xf32, #tpu.memory_space<vmem_shared>>
        %dma_wait3A_414 = arith.constant 0 : i32
        %dma_wait3A_415 = tpu.memref_slice %arg18[%mul3A_405, %dma_wait3A_414] : memref<64x128xf32, #tpu.memory_space<vmem_shared>> -> memref<8x128xf32, #tpu.memory_space<vmem_shared>>
        tpu.wait_dma2 semaphore(%run_scoped3A : memref<!tpu.dma_semaphore, #tpu.memory_space<semaphore_mem>>) src(%arg14 : memref<8x128xf32, #tpu.memory_space<vmem>>) dst(%dma_wait3A_415 : memref<8x128xf32, #tpu.memory_space<vmem_shared>>)
        tpu.yield
      }) : () -> ()
      %mul3A_406 = arith.constant 8 : i32
      %mul3A_407 = arith.muli %mul3A_406, %arg1 : i32
      "tpu.region"() ({
        %run_scoped3A = tpu.sem_alloc : memref<!tpu.dma_semaphore, #tpu.memory_space<semaphore_mem>>
        %dma_start3A = arith.constant 0 : i32
        %dma_start3A_410 = tpu.memref_slice %arg19[%mul3A_407, %dma_start3A] : memref<64x128xf32, #tpu.memory_space<vmem_shared>> -> memref<8x128xf32, #tpu.memory_space<vmem_shared>>
        %dma_start3A_411 = arith.constant 0 : i32
        %dma_start3A_412 = tpu.memref_slice %arg19[%mul3A_407, %dma_start3A_411] : memref<64x128xf32, #tpu.memory_space<vmem_shared>> -> memref<8x128xf32, #tpu.memory_space<vmem_shared>>
        tpu.enqueue_dma source(%arg14 : memref<8x128xf32, #tpu.memory_space<vmem>>) target(%dma_start3A_412 : memref<8x128xf32, #tpu.memory_space<vmem_shared>>) target_semaphore(%run_scoped3A : memref<!tpu.dma_semaphore, #tpu.memory_space<semaphore_mem>>)
        %dma_wait3A = arith.constant 0 : i32
        %dma_wait3A_413 = tpu.memref_slice %arg19[%mul3A_407, %dma_wait3A] : memref<64x128xf32, #tpu.memory_space<vmem_shared>> -> memref<8x128xf32, #tpu.memory_space<vmem_shared>>
        %dma_wait3A_414 = arith.constant 0 : i32
        %dma_wait3A_415 = tpu.memref_slice %arg19[%mul3A_407, %dma_wait3A_414] : memref<64x128xf32, #tpu.memory_space<vmem_shared>> -> memref<8x128xf32, #tpu.memory_space<vmem_shared>>
        tpu.wait_dma2 semaphore(%run_scoped3A : memref<!tpu.dma_semaphore, #tpu.memory_space<semaphore_mem>>) src(%arg14 : memref<8x128xf32, #tpu.memory_space<vmem>>) dst(%dma_wait3A_415 : memref<8x128xf32, #tpu.memory_space<vmem_shared>>)
        tpu.yield
      }) : () -> ()
      %mul3A_408 = arith.constant 8 : i32
      %mul3A_409 = arith.muli %mul3A_408, %arg1 : i32
      "tpu.region"() ({
        %run_scoped3A = tpu.sem_alloc : memref<!tpu.dma_semaphore, #tpu.memory_space<semaphore_mem>>
        %dma_start3A = arith.constant 0 : i32
        %dma_start3A_410 = tpu.memref_slice %arg20[%mul3A_409, %dma_start3A] : memref<64x128xf32, #tpu.memory_space<vmem_shared>> -> memref<8x128xf32, #tpu.memory_space<vmem_shared>>
        %dma_start3A_411 = arith.constant 0 : i32
        %dma_start3A_412 = tpu.memref_slice %arg20[%mul3A_409, %dma_start3A_411] : memref<64x128xf32, #tpu.memory_space<vmem_shared>> -> memref<8x128xf32, #tpu.memory_space<vmem_shared>>
        tpu.enqueue_dma source(%arg14 : memref<8x128xf32, #tpu.memory_space<vmem>>) target(%dma_start3A_412 : memref<8x128xf32, #tpu.memory_space<vmem_shared>>) target_semaphore(%run_scoped3A : memref<!tpu.dma_semaphore, #tpu.memory_space<semaphore_mem>>)
        %dma_wait3A = arith.constant 0 : i32
        %dma_wait3A_413 = tpu.memref_slice %arg20[%mul3A_409, %dma_wait3A] : memref<64x128xf32, #tpu.memory_space<vmem_shared>> -> memref<8x128xf32, #tpu.memory_space<vmem_shared>>
        %dma_wait3A_414 = arith.constant 0 : i32
        %dma_wait3A_415 = tpu.memref_slice %arg20[%mul3A_409, %dma_wait3A_414] : memref<64x128xf32, #tpu.memory_space<vmem_shared>> -> memref<8x128xf32, #tpu.memory_space<vmem_shared>>
        tpu.wait_dma2 semaphore(%run_scoped3A : memref<!tpu.dma_semaphore, #tpu.memory_space<semaphore_mem>>) src(%arg14 : memref<8x128xf32, #tpu.memory_space<vmem>>) dst(%dma_wait3A_415 : memref<8x128xf32, #tpu.memory_space<vmem_shared>>)
        tpu.yield
      }) : () -> ()
    } else {
    }
    %barrier3A = arith.constant 0 : index
    tpu.barrier barrier_id(%barrier3A)
    %scan3A_393 = arith.constant 0 : i32
    %scan3A_394 = arith.constant 0 : i32
    %scan3A_395 = arith.constant 5 : i32
    %scan3A_396 = arith.addi %scan3A_394, %scan3A_395 : i32
    %scan3A_397 = arith.constant 1 : i32
    scf.for %scan3A_405 = %scan3A_394 to %scan3A_396 step %scan3A_397  : i32 {
      %mul3A = arith.constant 16 : i32
      %mul3A_406 = arith.muli %scan3A_405, %mul3A : i32
      %add3A = arith.addi %mul3A_406, %arg1 : i32
      %lt3A_407 = arith.constant 80 : i32
      %lt3A_408 = arith.cmpi slt, %add3A, %lt3A_407 : i32
      %convert_element_type3A_409 = arith.extui %lt3A_408 : i1 to i32
      %cond3A_410 = arith.constant 0 : i32
      %cond3A_411 = arith.cmpi ne, %convert_element_type3A_409, %cond3A_410 : i32
      scf.if %cond3A_411 {
        %mul3A_412 = arith.constant 400 : i32
        %mul3A_413 = arith.muli %add3A, %mul3A_412 : i32
        %add3A_414 = arith.constant 68000 : i32
        %add3A_415 = arith.addi %add3A_414, %mul3A_413 : i32
        %mul3A_416 = arith.constant 2 : i32
        %mul3A_417 = arith.muli %arg0, %mul3A_416 : i32
        %dma_start3A = arith.constant 0 : i32
        %dma_start3A_418 = tpu.memref_slice %arg2[%mul3A_417, %add3A_415, %dma_start3A] : memref<4x100000x128xf32, #tpu.memory_space<hbm>> -> memref<1x400x128xf32, #tpu.memory_space<hbm>>
        %dma_start3A_419 = tpu.memref_squeeze %dma_start3A_418 : memref<1x400x128xf32, #tpu.memory_space<hbm>> -> memref<400x128xf32, #tpu.memory_space<hbm>>
        %dma_start3A_420 = arith.constant 0 : i32
        %dma_start3A_421 = tpu.memref_slice %arg2[%mul3A_417, %add3A_415, %dma_start3A_420] : memref<4x100000x128xf32, #tpu.memory_space<hbm>> -> memref<1x400x128xf32, #tpu.memory_space<hbm>>
        %dma_start3A_422 = tpu.memref_squeeze %dma_start3A_421 : memref<1x400x128xf32, #tpu.memory_space<hbm>> -> memref<400x128xf32, #tpu.memory_space<hbm>>
        tpu.enqueue_dma source(%dma_start3A_422 : memref<400x128xf32, #tpu.memory_space<hbm>>) target(%arg11 : memref<400x128xf32, #tpu.memory_space<vmem>>) target_semaphore(%arg16 : memref<!tpu.dma_semaphore, #tpu.memory_space<semaphore_mem>>)
        %mul3A_423 = arith.constant 5 : i32
        %mul3A_424 = arith.muli %add3A, %mul3A_423 : i32
        %add3A_425 = arith.constant 850 : i32
        %add3A_426 = arith.addi %add3A_425, %mul3A_424 : i32
        %add3A_427 = arith.constant 0 : i32
        %add3A_428 = arith.addi %add3A_426, %add3A_427 : i32
        %dma_start3A_429 = arith.constant 0 : i32
        %dma_start3A_430 = tpu.memref_slice %arg3[%add3A_428, %dma_start3A_429] : memref<1250x80xi32, #tpu.memory_space<hbm>> -> memref<1x80xi32, #tpu.memory_space<hbm>>
        %dma_start3A_431 = tpu.memref_squeeze %dma_start3A_430 : memref<1x80xi32, #tpu.memory_space<hbm>> -> memref<80xi32, #tpu.memory_space<hbm>>
        %dma_start3A_432 = arith.constant 0 : i32
        %dma_start3A_433 = tpu.memref_slice %arg3[%add3A_428, %dma_start3A_432] : memref<1250x80xi32, #tpu.memory_space<hbm>> -> memref<1x80xi32, #tpu.memory_space<hbm>>
        %dma_start3A_434 = tpu.memref_squeeze %dma_start3A_433 : memref<1x80xi32, #tpu.memory_space<hbm>> -> memref<80xi32, #tpu.memory_space<hbm>>
        tpu.enqueue_dma source(%dma_start3A_434 : memref<80xi32, #tpu.memory_space<hbm>>) target(%arg6 : memref<80xi32, #tpu.memory_space<vmem>>) target_semaphore(%arg15 : memref<!tpu.dma_semaphore, #tpu.memory_space<semaphore_mem>>)
        %mul3A_435 = arith.constant 5 : i32
        %mul3A_436 = arith.muli %add3A, %mul3A_435 : i32
        %add3A_437 = arith.constant 850 : i32
        %add3A_438 = arith.addi %add3A_437, %mul3A_436 : i32
        %add3A_439 = arith.constant 1 : i32
        %add3A_440 = arith.addi %add3A_438, %add3A_439 : i32
        %dma_start3A_441 = arith.constant 0 : i32
        %dma_start3A_442 = tpu.memref_slice %arg3[%add3A_440, %dma_start3A_441] : memref<1250x80xi32, #tpu.memory_space<hbm>> -> memref<1x80xi32, #tpu.memory_space<hbm>>
        %dma_start3A_443 = tpu.memref_squeeze %dma_start3A_442 : memref<1x80xi32, #tpu.memory_space<hbm>> -> memref<80xi32, #tpu.memory_space<hbm>>
        %dma_start3A_444 = arith.constant 0 : i32
        %dma_start3A_445 = tpu.memref_slice %arg3[%add3A_440, %dma_start3A_444] : memref<1250x80xi32, #tpu.memory_space<hbm>> -> memref<1x80xi32, #tpu.memory_space<hbm>>
        %dma_start3A_446 = tpu.memref_squeeze %dma_start3A_445 : memref<1x80xi32, #tpu.memory_space<hbm>> -> memref<80xi32, #tpu.memory_space<hbm>>
        tpu.enqueue_dma source(%dma_start3A_446 : memref<80xi32, #tpu.memory_space<hbm>>) target(%arg7 : memref<80xi32, #tpu.memory_space<vmem>>) target_semaphore(%arg15 : memref<!tpu.dma_semaphore, #tpu.memory_space<semaphore_mem>>)
        %mul3A_447 = arith.constant 5 : i32
        %mul3A_448 = arith.muli %add3A, %mul3A_447 : i32
        %add3A_449 = arith.constant 850 : i32
        %add3A_450 = arith.addi %add3A_449, %mul3A_448 : i32
        %add3A_451 = arith.constant 2 : i32
        %add3A_452 = arith.addi %add3A_450, %add3A_451 : i32
        %dma_start3A_453 = arith.constant 0 : i32
        %dma_start3A_454 = tpu.memref_slice %arg3[%add3A_452, %dma_start3A_453] : memref<1250x80xi32, #tpu.memory_space<hbm>> -> memref<1x80xi32, #tpu.memory_space<hbm>>
        %dma_start3A_455 = tpu.memref_squeeze %dma_start3A_454 : memref<1x80xi32, #tpu.memory_space<hbm>> -> memref<80xi32, #tpu.memory_space<hbm>>
        %dma_start3A_456 = arith.constant 0 : i32
        %dma_start3A_457 = tpu.memref_slice %arg3[%add3A_452, %dma_start3A_456] : memref<1250x80xi32, #tpu.memory_space<hbm>> -> memref<1x80xi32, #tpu.memory_space<hbm>>
        %dma_start3A_458 = tpu.memref_squeeze %dma_start3A_457 : memref<1x80xi32, #tpu.memory_space<hbm>> -> memref<80xi32, #tpu.memory_space<hbm>>
        tpu.enqueue_dma source(%dma_start3A_458 : memref<80xi32, #tpu.memory_space<hbm>>) target(%arg8 : memref<80xi32, #tpu.memory_space<vmem>>) target_semaphore(%arg15 : memref<!tpu.dma_semaphore, #tpu.memory_space<semaphore_mem>>)
        %mul3A_459 = arith.constant 5 : i32
        %mul3A_460 = arith.muli %add3A, %mul3A_459 : i32
        %add3A_461 = arith.constant 850 : i32
        %add3A_462 = arith.addi %add3A_461, %mul3A_460 : i32
        %add3A_463 = arith.constant 3 : i32
        %add3A_464 = arith.addi %add3A_462, %add3A_463 : i32
        %dma_start3A_465 = arith.constant 0 : i32
        %dma_start3A_466 = tpu.memref_slice %arg3[%add3A_464, %dma_start3A_465] : memref<1250x80xi32, #tpu.memory_space<hbm>> -> memref<1x80xi32, #tpu.memory_space<hbm>>
        %dma_start3A_467 = tpu.memref_squeeze %dma_start3A_466 : memref<1x80xi32, #tpu.memory_space<hbm>> -> memref<80xi32, #tpu.memory_space<hbm>>
        %dma_start3A_468 = arith.constant 0 : i32
        %dma_start3A_469 = tpu.memref_slice %arg3[%add3A_464, %dma_start3A_468] : memref<1250x80xi32, #tpu.memory_space<hbm>> -> memref<1x80xi32, #tpu.memory_space<hbm>>
        %dma_start3A_470 = tpu.memref_squeeze %dma_start3A_469 : memref<1x80xi32, #tpu.memory_space<hbm>> -> memref<80xi32, #tpu.memory_space<hbm>>
        tpu.enqueue_dma source(%dma_start3A_470 : memref<80xi32, #tpu.memory_space<hbm>>) target(%arg9 : memref<80xi32, #tpu.memory_space<vmem>>) target_semaphore(%arg15 : memref<!tpu.dma_semaphore, #tpu.memory_space<semaphore_mem>>)
        %mul3A_471 = arith.constant 5 : i32
        %mul3A_472 = arith.muli %add3A, %mul3A_471 : i32
        %add3A_473 = arith.constant 850 : i32
        %add3A_474 = arith.addi %add3A_473, %mul3A_472 : i32
        %add3A_475 = arith.constant 4 : i32
        %add3A_476 = arith.addi %add3A_474, %add3A_475 : i32
        %dma_start3A_477 = arith.constant 0 : i32
        %dma_start3A_478 = tpu.memref_slice %arg3[%add3A_476, %dma_start3A_477] : memref<1250x80xi32, #tpu.memory_space<hbm>> -> memref<1x80xi32, #tpu.memory_space<hbm>>
        %dma_start3A_479 = tpu.memref_squeeze %dma_start3A_478 : memref<1x80xi32, #tpu.memory_space<hbm>> -> memref<80xi32, #tpu.memory_space<hbm>>
        %dma_start3A_480 = arith.constant 0 : i32
        %dma_start3A_481 = tpu.memref_slice %arg3[%add3A_476, %dma_start3A_480] : memref<1250x80xi32, #tpu.memory_space<hbm>> -> memref<1x80xi32, #tpu.memory_space<hbm>>
        %dma_start3A_482 = tpu.memref_squeeze %dma_start3A_481 : memref<1x80xi32, #tpu.memory_space<hbm>> -> memref<80xi32, #tpu.memory_space<hbm>>
        tpu.enqueue_dma source(%dma_start3A_482 : memref<80xi32, #tpu.memory_space<hbm>>) target(%arg10 : memref<80xi32, #tpu.memory_space<vmem>>) target_semaphore(%arg15 : memref<!tpu.dma_semaphore, #tpu.memory_space<semaphore_mem>>)
        %dma_wait3A = arith.constant 0 : i32
        %dma_wait3A_483 = tpu.memref_slice %arg3[%add3A_428, %dma_wait3A] : memref<1250x80xi32, #tpu.memory_space<hbm>> -> memref<1x80xi32, #tpu.memory_space<hbm>>
        %dma_wait3A_484 = tpu.memref_squeeze %dma_wait3A_483 : memref<1x80xi32, #tpu.memory_space<hbm>> -> memref<80xi32, #tpu.memory_space<hbm>>
        %dma_wait3A_485 = arith.constant 0 : i32
        %dma_wait3A_486 = tpu.memref_slice %arg3[%add3A_428, %dma_wait3A_485] : memref<1250x80xi32, #tpu.memory_space<hbm>> -> memref<1x80xi32, #tpu.memory_space<hbm>>
        %dma_wait3A_487 = tpu.memref_squeeze %dma_wait3A_486 : memref<1x80xi32, #tpu.memory_space<hbm>> -> memref<80xi32, #tpu.memory_space<hbm>>
        tpu.wait_dma2 semaphore(%arg15 : memref<!tpu.dma_semaphore, #tpu.memory_space<semaphore_mem>>) src(%dma_wait3A_487 : memref<80xi32, #tpu.memory_space<hbm>>) dst(%arg6 : memref<80xi32, #tpu.memory_space<vmem>>)
        %dma_wait3A_488 = arith.constant 0 : i32
        %dma_wait3A_489 = tpu.memref_slice %arg3[%add3A_440, %dma_wait3A_488] : memref<1250x80xi32, #tpu.memory_space<hbm>> -> memref<1x80xi32, #tpu.memory_space<hbm>>
        %dma_wait3A_490 = tpu.memref_squeeze %dma_wait3A_489 : memref<1x80xi32, #tpu.memory_space<hbm>> -> memref<80xi32, #tpu.memory_space<hbm>>
        %dma_wait3A_491 = arith.constant 0 : i32
        %dma_wait3A_492 = tpu.memref_slice %arg3[%add3A_440, %dma_wait3A_491] : memref<1250x80xi32, #tpu.memory_space<hbm>> -> memref<1x80xi32, #tpu.memory_space<hbm>>
        %dma_wait3A_493 = tpu.memref_squeeze %dma_wait3A_492 : memref<1x80xi32, #tpu.memory_space<hbm>> -> memref<80xi32, #tpu.memory_space<hbm>>
        tpu.wait_dma2 semaphore(%arg15 : memref<!tpu.dma_semaphore, #tpu.memory_space<semaphore_mem>>) src(%dma_wait3A_493 : memref<80xi32, #tpu.memory_space<hbm>>) dst(%arg7 : memref<80xi32, #tpu.memory_space<vmem>>)
        %dma_wait3A_494 = arith.constant 0 : i32
        %dma_wait3A_495 = tpu.memref_slice %arg3[%add3A_452, %dma_wait3A_494] : memref<1250x80xi32, #tpu.memory_space<hbm>> -> memref<1x80xi32, #tpu.memory_space<hbm>>
        %dma_wait3A_496 = tpu.memref_squeeze %dma_wait3A_495 : memref<1x80xi32, #tpu.memory_space<hbm>> -> memref<80xi32, #tpu.memory_space<hbm>>
        %dma_wait3A_497 = arith.constant 0 : i32
        %dma_wait3A_498 = tpu.memref_slice %arg3[%add3A_452, %dma_wait3A_497] : memref<1250x80xi32, #tpu.memory_space<hbm>> -> memref<1x80xi32, #tpu.memory_space<hbm>>
        %dma_wait3A_499 = tpu.memref_squeeze %dma_wait3A_498 : memref<1x80xi32, #tpu.memory_space<hbm>> -> memref<80xi32, #tpu.memory_space<hbm>>
        tpu.wait_dma2 semaphore(%arg15 : memref<!tpu.dma_semaphore, #tpu.memory_space<semaphore_mem>>) src(%dma_wait3A_499 : memref<80xi32, #tpu.memory_space<hbm>>) dst(%arg8 : memref<80xi32, #tpu.memory_space<vmem>>)
        %dma_wait3A_500 = arith.constant 0 : i32
        %dma_wait3A_501 = tpu.memref_slice %arg3[%add3A_464, %dma_wait3A_500] : memref<1250x80xi32, #tpu.memory_space<hbm>> -> memref<1x80xi32, #tpu.memory_space<hbm>>
        %dma_wait3A_502 = tpu.memref_squeeze %dma_wait3A_501 : memref<1x80xi32, #tpu.memory_space<hbm>> -> memref<80xi32, #tpu.memory_space<hbm>>
        %dma_wait3A_503 = arith.constant 0 : i32
        %dma_wait3A_504 = tpu.memref_slice %arg3[%add3A_464, %dma_wait3A_503] : memref<1250x80xi32, #tpu.memory_space<hbm>> -> memref<1x80xi32, #tpu.memory_space<hbm>>
        %dma_wait3A_505 = tpu.memref_squeeze %dma_wait3A_504 : memref<1x80xi32, #tpu.memory_space<hbm>> -> memref<80xi32, #tpu.memory_space<hbm>>
        tpu.wait_dma2 semaphore(%arg15 : memref<!tpu.dma_semaphore, #tpu.memory_space<semaphore_mem>>) src(%dma_wait3A_505 : memref<80xi32, #tpu.memory_space<hbm>>) dst(%arg9 : memref<80xi32, #tpu.memory_space<vmem>>)
        %dma_wait3A_506 = arith.constant 0 : i32
        %dma_wait3A_507 = tpu.memref_slice %arg3[%add3A_476, %dma_wait3A_506] : memref<1250x80xi32, #tpu.memory_space<hbm>> -> memref<1x80xi32, #tpu.memory_space<hbm>>
        %dma_wait3A_508 = tpu.memref_squeeze %dma_wait3A_507 : memref<1x80xi32, #tpu.memory_space<hbm>> -> memref<80xi32, #tpu.memory_space<hbm>>
        %dma_wait3A_509 = arith.constant 0 : i32
        %dma_wait3A_510 = tpu.memref_slice %arg3[%add3A_476, %dma_wait3A_509] : memref<1250x80xi32, #tpu.memory_space<hbm>> -> memref<1x80xi32, #tpu.memory_space<hbm>>
        %dma_wait3A_511 = tpu.memref_squeeze %dma_wait3A_510 : memref<1x80xi32, #tpu.memory_space<hbm>> -> memref<80xi32, #tpu.memory_space<hbm>>
        tpu.wait_dma2 semaphore(%arg15 : memref<!tpu.dma_semaphore, #tpu.memory_space<semaphore_mem>>) src(%dma_wait3A_511 : memref<80xi32, #tpu.memory_space<hbm>>) dst(%arg10 : memref<80xi32, #tpu.memory_space<vmem>>)
        %dma_wait3A_512 = arith.constant 0 : i32
        %dma_wait3A_513 = tpu.memref_slice %arg2[%mul3A_417, %add3A_415, %dma_wait3A_512] : memref<4x100000x128xf32, #tpu.memory_space<hbm>> -> memref<1x400x128xf32, #tpu.memory_space<hbm>>
        %dma_wait3A_514 = tpu.memref_squeeze %dma_wait3A_513 : memref<1x400x128xf32, #tpu.memory_space<hbm>> -> memref<400x128xf32, #tpu.memory_space<hbm>>
        %dma_wait3A_515 = arith.constant 0 : i32
        %dma_wait3A_516 = tpu.memref_slice %arg2[%mul3A_417, %add3A_415, %dma_wait3A_515] : memref<4x100000x128xf32, #tpu.memory_space<hbm>> -> memref<1x400x128xf32, #tpu.memory_space<hbm>>
        %dma_wait3A_517 = tpu.memref_squeeze %dma_wait3A_516 : memref<1x400x128xf32, #tpu.memory_space<hbm>> -> memref<400x128xf32, #tpu.memory_space<hbm>>
        tpu.wait_dma2 semaphore(%arg16 : memref<!tpu.dma_semaphore, #tpu.memory_space<semaphore_mem>>) src(%dma_wait3A_517 : memref<400x128xf32, #tpu.memory_space<hbm>>) dst(%arg11 : memref<400x128xf32, #tpu.memory_space<vmem>>)
        %mul3A_518 = arith.constant 2 : i32
        %mul3A_519 = arith.muli %arg0, %mul3A_518 : i32
        %add3A_520 = arith.constant 1 : i32
        %add3A_521 = arith.addi %mul3A_519, %add3A_520 : i32
        %dma_start3A_522 = arith.constant 0 : i32
        %dma_start3A_523 = tpu.memref_slice %arg2[%add3A_521, %add3A_415, %dma_start3A_522] : memref<4x100000x128xf32, #tpu.memory_space<hbm>> -> memref<1x400x128xf32, #tpu.memory_space<hbm>>
        %dma_start3A_524 = tpu.memref_squeeze %dma_start3A_523 : memref<1x400x128xf32, #tpu.memory_space<hbm>> -> memref<400x128xf32, #tpu.memory_space<hbm>>
        %dma_start3A_525 = arith.constant 0 : i32
        %dma_start3A_526 = tpu.memref_slice %arg2[%add3A_521, %add3A_415, %dma_start3A_525] : memref<4x100000x128xf32, #tpu.memory_space<hbm>> -> memref<1x400x128xf32, #tpu.memory_space<hbm>>
        %dma_start3A_527 = tpu.memref_squeeze %dma_start3A_526 : memref<1x400x128xf32, #tpu.memory_space<hbm>> -> memref<400x128xf32, #tpu.memory_space<hbm>>
        tpu.enqueue_dma source(%dma_start3A_527 : memref<400x128xf32, #tpu.memory_space<hbm>>) target(%arg12 : memref<400x128xf32, #tpu.memory_space<vmem>>) target_semaphore(%arg17 : memref<!tpu.dma_semaphore, #tpu.memory_space<semaphore_mem>>)
        "tpu.region"() ({
          %run_scoped3A = tpu.sem_alloc : memref<!tpu.dma_semaphore, #tpu.memory_space<semaphore_mem>>
          %dma_start3A_534 = arith.constant 0 : i32
          %dma_start3A_535 = arith.constant 0 : i32
          %dma_start3A_536 = tpu.memref_slice %arg11[%dma_start3A_534, %dma_start3A_535] : memref<400x128xf32, #tpu.memory_space<vmem>> -> memref<80x128xf32, #tpu.memory_space<vmem>>
          %dma_start3A_537 = arith.constant 0 : i32
          %dma_start3A_538 = arith.constant 0 : i32
          %dma_start3A_539 = tpu.memref_slice %arg18[%dma_start3A_537, %dma_start3A_538] : memref<64x128xf32, #tpu.memory_space<vmem_shared>> -> memref<64x128xf32, #tpu.memory_space<vmem_shared>>
          tpu.enqueue_indirect_dma source(%dma_start3A_536 : memref<80x128xf32, #tpu.memory_space<vmem>>) target(%dma_start3A_539 : memref<64x128xf32, #tpu.memory_space<vmem_shared>>) offsets(%arg6 : memref<80xi32, #tpu.memory_space<vmem>>) semaphore(%run_scoped3A : memref<!tpu.dma_semaphore, #tpu.memory_space<semaphore_mem>>) {add = true}
          %dma_wait3A_540 = arith.constant 0 : i32
          %dma_wait3A_541 = arith.constant 0 : i32
          %dma_wait3A_542 = tpu.memref_slice %arg11[%dma_wait3A_540, %dma_wait3A_541] : memref<400x128xf32, #tpu.memory_space<vmem>> -> memref<80x128xf32, #tpu.memory_space<vmem>>
          %dma_wait3A_543 = arith.constant 0 : i32
          %dma_wait3A_544 = arith.constant 0 : i32
          %dma_wait3A_545 = tpu.memref_slice %arg18[%dma_wait3A_543, %dma_wait3A_544] : memref<64x128xf32, #tpu.memory_space<vmem_shared>> -> memref<64x128xf32, #tpu.memory_space<vmem_shared>>
          tpu.wait_indirect_dma semaphore(%run_scoped3A : memref<!tpu.dma_semaphore, #tpu.memory_space<semaphore_mem>>) src(%dma_wait3A_542 : memref<80x128xf32, #tpu.memory_space<vmem>>) dst(%dma_wait3A_545 : memref<64x128xf32, #tpu.memory_space<vmem_shared>>)
          tpu.yield
        }) : () -> ()
        "tpu.region"() ({
          %run_scoped3A = tpu.sem_alloc : memref<!tpu.dma_semaphore, #tpu.memory_space<semaphore_mem>>
          %dma_start3A_534 = arith.constant 80 : i32
          %dma_start3A_535 = arith.constant 0 : i32
          %dma_start3A_536 = tpu.memref_slice %arg11[%dma_start3A_534, %dma_start3A_535] : memref<400x128xf32, #tpu.memory_space<vmem>> -> memref<80x128xf32, #tpu.memory_space<vmem>>
          %dma_start3A_537 = arith.constant 0 : i32
          %dma_start3A_538 = arith.constant 0 : i32
          %dma_start3A_539 = tpu.memref_slice %arg18[%dma_start3A_537, %dma_start3A_538] : memref<64x128xf32, #tpu.memory_space<vmem_shared>> -> memref<64x128xf32, #tpu.memory_space<vmem_shared>>
          tpu.enqueue_indirect_dma source(%dma_start3A_536 : memref<80x128xf32, #tpu.memory_space<vmem>>) target(%dma_start3A_539 : memref<64x128xf32, #tpu.memory_space<vmem_shared>>) offsets(%arg7 : memref<80xi32, #tpu.memory_space<vmem>>) semaphore(%run_scoped3A : memref<!tpu.dma_semaphore, #tpu.memory_space<semaphore_mem>>) {add = true}
          %dma_wait3A_540 = arith.constant 80 : i32
          %dma_wait3A_541 = arith.constant 0 : i32
          %dma_wait3A_542 = tpu.memref_slice %arg11[%dma_wait3A_540, %dma_wait3A_541] : memref<400x128xf32, #tpu.memory_space<vmem>> -> memref<80x128xf32, #tpu.memory_space<vmem>>
          %dma_wait3A_543 = arith.constant 0 : i32
          %dma_wait3A_544 = arith.constant 0 : i32
          %dma_wait3A_545 = tpu.memref_slice %arg18[%dma_wait3A_543, %dma_wait3A_544] : memref<64x128xf32, #tpu.memory_space<vmem_shared>> -> memref<64x128xf32, #tpu.memory_space<vmem_shared>>
          tpu.wait_indirect_dma semaphore(%run_scoped3A : memref<!tpu.dma_semaphore, #tpu.memory_space<semaphore_mem>>) src(%dma_wait3A_542 : memref<80x128xf32, #tpu.memory_space<vmem>>) dst(%dma_wait3A_545 : memref<64x128xf32, #tpu.memory_space<vmem_shared>>)
          tpu.yield
        }) : () -> ()
        "tpu.region"() ({
          %run_scoped3A = tpu.sem_alloc : memref<!tpu.dma_semaphore, #tpu.memory_space<semaphore_mem>>
          %dma_start3A_534 = arith.constant 160 : i32
          %dma_start3A_535 = arith.constant 0 : i32
          %dma_start3A_536 = tpu.memref_slice %arg11[%dma_start3A_534, %dma_start3A_535] : memref<400x128xf32, #tpu.memory_space<vmem>> -> memref<80x128xf32, #tpu.memory_space<vmem>>
          %dma_start3A_537 = arith.constant 0 : i32
          %dma_start3A_538 = arith.constant 0 : i32
          %dma_start3A_539 = tpu.memref_slice %arg18[%dma_start3A_537, %dma_start3A_538] : memref<64x128xf32, #tpu.memory_space<vmem_shared>> -> memref<64x128xf32, #tpu.memory_space<vmem_shared>>
          tpu.enqueue_indirect_dma source(%dma_start3A_536 : memref<80x128xf32, #tpu.memory_space<vmem>>) target(%dma_start3A_539 : memref<64x128xf32, #tpu.memory_space<vmem_shared>>) offsets(%arg8 : memref<80xi32, #tpu.memory_space<vmem>>) semaphore(%run_scoped3A : memref<!tpu.dma_semaphore, #tpu.memory_space<semaphore_mem>>) {add = true}
          %dma_wait3A_540 = arith.constant 160 : i32
          %dma_wait3A_541 = arith.constant 0 : i32
          %dma_wait3A_542 = tpu.memref_slice %arg11[%dma_wait3A_540, %dma_wait3A_541] : memref<400x128xf32, #tpu.memory_space<vmem>> -> memref<80x128xf32, #tpu.memory_space<vmem>>
          %dma_wait3A_543 = arith.constant 0 : i32
          %dma_wait3A_544 = arith.constant 0 : i32
          %dma_wait3A_545 = tpu.memref_slice %arg18[%dma_wait3A_543, %dma_wait3A_544] : memref<64x128xf32, #tpu.memory_space<vmem_shared>> -> memref<64x128xf32, #tpu.memory_space<vmem_shared>>
          tpu.wait_indirect_dma semaphore(%run_scoped3A : memref<!tpu.dma_semaphore, #tpu.memory_space<semaphore_mem>>) src(%dma_wait3A_542 : memref<80x128xf32, #tpu.memory_space<vmem>>) dst(%dma_wait3A_545 : memref<64x128xf32, #tpu.memory_space<vmem_shared>>)
          tpu.yield
        }) : () -> ()
        "tpu.region"() ({
          %run_scoped3A = tpu.sem_alloc : memref<!tpu.dma_semaphore, #tpu.memory_space<semaphore_mem>>
          %dma_start3A_534 = arith.constant 240 : i32
          %dma_start3A_535 = arith.constant 0 : i32
          %dma_start3A_536 = tpu.memref_slice %arg11[%dma_start3A_534, %dma_start3A_535] : memref<400x128xf32, #tpu.memory_space<vmem>> -> memref<80x128xf32, #tpu.memory_space<vmem>>
          %dma_start3A_537 = arith.constant 0 : i32
          %dma_start3A_538 = arith.constant 0 : i32
          %dma_start3A_539 = tpu.memref_slice %arg18[%dma_start3A_537, %dma_start3A_538] : memref<64x128xf32, #tpu.memory_space<vmem_shared>> -> memref<64x128xf32, #tpu.memory_space<vmem_shared>>
          tpu.enqueue_indirect_dma source(%dma_start3A_536 : memref<80x128xf32, #tpu.memory_space<vmem>>) target(%dma_start3A_539 : memref<64x128xf32, #tpu.memory_space<vmem_shared>>) offsets(%arg9 : memref<80xi32, #tpu.memory_space<vmem>>) semaphore(%run_scoped3A : memref<!tpu.dma_semaphore, #tpu.memory_space<semaphore_mem>>) {add = true}
          %dma_wait3A_540 = arith.constant 240 : i32
          %dma_wait3A_541 = arith.constant 0 : i32
          %dma_wait3A_542 = tpu.memref_slice %arg11[%dma_wait3A_540, %dma_wait3A_541] : memref<400x128xf32, #tpu.memory_space<vmem>> -> memref<80x128xf32, #tpu.memory_space<vmem>>
          %dma_wait3A_543 = arith.constant 0 : i32
          %dma_wait3A_544 = arith.constant 0 : i32
          %dma_wait3A_545 = tpu.memref_slice %arg18[%dma_wait3A_543, %dma_wait3A_544] : memref<64x128xf32, #tpu.memory_space<vmem_shared>> -> memref<64x128xf32, #tpu.memory_space<vmem_shared>>
          tpu.wait_indirect_dma semaphore(%run_scoped3A : memref<!tpu.dma_semaphore, #tpu.memory_space<semaphore_mem>>) src(%dma_wait3A_542 : memref<80x128xf32, #tpu.memory_space<vmem>>) dst(%dma_wait3A_545 : memref<64x128xf32, #tpu.memory_space<vmem_shared>>)
          tpu.yield
        }) : () -> ()
        "tpu.region"() ({
          %run_scoped3A = tpu.sem_alloc : memref<!tpu.dma_semaphore, #tpu.memory_space<semaphore_mem>>
          %dma_start3A_534 = arith.constant 320 : i32
          %dma_start3A_535 = arith.constant 0 : i32
          %dma_start3A_536 = tpu.memref_slice %arg11[%dma_start3A_534, %dma_start3A_535] : memref<400x128xf32, #tpu.memory_space<vmem>> -> memref<80x128xf32, #tpu.memory_space<vmem>>
          %dma_start3A_537 = arith.constant 0 : i32
          %dma_start3A_538 = arith.constant 0 : i32
          %dma_start3A_539 = tpu.memref_slice %arg18[%dma_start3A_537, %dma_start3A_538] : memref<64x128xf32, #tpu.memory_space<vmem_shared>> -> memref<64x128xf32, #tpu.memory_space<vmem_shared>>
          tpu.enqueue_indirect_dma source(%dma_start3A_536 : memref<80x128xf32, #tpu.memory_space<vmem>>) target(%dma_start3A_539 : memref<64x128xf32, #tpu.memory_space<vmem_shared>>) offsets(%arg10 : memref<80xi32, #tpu.memory_space<vmem>>) semaphore(%run_scoped3A : memref<!tpu.dma_semaphore, #tpu.memory_space<semaphore_mem>>) {add = true}
          %dma_wait3A_540 = arith.constant 320 : i32
          %dma_wait3A_541 = arith.constant 0 : i32
          %dma_wait3A_542 = tpu.memref_slice %arg11[%dma_wait3A_540, %dma_wait3A_541] : memref<400x128xf32, #tpu.memory_space<vmem>> -> memref<80x128xf32, #tpu.memory_space<vmem>>
          %dma_wait3A_543 = arith.constant 0 : i32
          %dma_wait3A_544 = arith.constant 0 : i32
          %dma_wait3A_545 = tpu.memref_slice %arg18[%dma_wait3A_543, %dma_wait3A_544] : memref<64x128xf32, #tpu.memory_space<vmem_shared>> -> memref<64x128xf32, #tpu.memory_space<vmem_shared>>
          tpu.wait_indirect_dma semaphore(%run_scoped3A : memref<!tpu.dma_semaphore, #tpu.memory_space<semaphore_mem>>) src(%dma_wait3A_542 : memref<80x128xf32, #tpu.memory_space<vmem>>) dst(%dma_wait3A_545 : memref<64x128xf32, #tpu.memory_space<vmem_shared>>)
          tpu.yield
        }) : () -> ()
        "tpu.region"() ({
          %run_scoped3A = tpu.sem_alloc : memref<!tpu.dma_semaphore, #tpu.memory_space<semaphore_mem>>
          %dma_start3A_534 = arith.constant 0 : i32
          %dma_start3A_535 = arith.constant 0 : i32
          %dma_start3A_536 = tpu.memref_slice %arg20[%dma_start3A_534, %dma_start3A_535] : memref<64x128xf32, #tpu.memory_space<vmem_shared>> -> memref<64x128xf32, #tpu.memory_space<vmem_shared>>
          tpu.enqueue_indirect_dma source(%arg13 : memref<80x128xf32, #tpu.memory_space<vmem>>) target(%dma_start3A_536 : memref<64x128xf32, #tpu.memory_space<vmem_shared>>) offsets(%arg6 : memref<80xi32, #tpu.memory_space<vmem>>) semaphore(%run_scoped3A : memref<!tpu.dma_semaphore, #tpu.memory_space<semaphore_mem>>) {add = true}
          %dma_wait3A_537 = arith.constant 0 : i32
          %dma_wait3A_538 = arith.constant 0 : i32
          %dma_wait3A_539 = tpu.memref_slice %arg20[%dma_wait3A_537, %dma_wait3A_538] : memref<64x128xf32, #tpu.memory_space<vmem_shared>> -> memref<64x128xf32, #tpu.memory_space<vmem_shared>>
          tpu.wait_indirect_dma semaphore(%run_scoped3A : memref<!tpu.dma_semaphore, #tpu.memory_space<semaphore_mem>>) src(%arg13 : memref<80x128xf32, #tpu.memory_space<vmem>>) dst(%dma_wait3A_539 : memref<64x128xf32, #tpu.memory_space<vmem_shared>>)
          tpu.yield
        }) : () -> ()
        "tpu.region"() ({
          %run_scoped3A = tpu.sem_alloc : memref<!tpu.dma_semaphore, #tpu.memory_space<semaphore_mem>>
          %dma_start3A_534 = arith.constant 0 : i32
          %dma_start3A_535 = arith.constant 0 : i32
          %dma_start3A_536 = tpu.memref_slice %arg20[%dma_start3A_534, %dma_start3A_535] : memref<64x128xf32, #tpu.memory_space<vmem_shared>> -> memref<64x128xf32, #tpu.memory_space<vmem_shared>>
          tpu.enqueue_indirect_dma source(%arg13 : memref<80x128xf32, #tpu.memory_space<vmem>>) target(%dma_start3A_536 : memref<64x128xf32, #tpu.memory_space<vmem_shared>>) offsets(%arg7 : memref<80xi32, #tpu.memory_space<vmem>>) semaphore(%run_scoped3A : memref<!tpu.dma_semaphore, #tpu.memory_space<semaphore_mem>>) {add = true}
          %dma_wait3A_537 = arith.constant 0 : i32
          %dma_wait3A_538 = arith.constant 0 : i32
          %dma_wait3A_539 = tpu.memref_slice %arg20[%dma_wait3A_537, %dma_wait3A_538] : memref<64x128xf32, #tpu.memory_space<vmem_shared>> -> memref<64x128xf32, #tpu.memory_space<vmem_shared>>
          tpu.wait_indirect_dma semaphore(%run_scoped3A : memref<!tpu.dma_semaphore, #tpu.memory_space<semaphore_mem>>) src(%arg13 : memref<80x128xf32, #tpu.memory_space<vmem>>) dst(%dma_wait3A_539 : memref<64x128xf32, #tpu.memory_space<vmem_shared>>)
          tpu.yield
        }) : () -> ()
        "tpu.region"() ({
          %run_scoped3A = tpu.sem_alloc : memref<!tpu.dma_semaphore, #tpu.memory_space<semaphore_mem>>
          %dma_start3A_534 = arith.constant 0 : i32
          %dma_start3A_535 = arith.constant 0 : i32
          %dma_start3A_536 = tpu.memref_slice %arg20[%dma_start3A_534, %dma_start3A_535] : memref<64x128xf32, #tpu.memory_space<vmem_shared>> -> memref<64x128xf32, #tpu.memory_space<vmem_shared>>
          tpu.enqueue_indirect_dma source(%arg13 : memref<80x128xf32, #tpu.memory_space<vmem>>) target(%dma_start3A_536 : memref<64x128xf32, #tpu.memory_space<vmem_shared>>) offsets(%arg8 : memref<80xi32, #tpu.memory_space<vmem>>) semaphore(%run_scoped3A : memref<!tpu.dma_semaphore, #tpu.memory_space<semaphore_mem>>) {add = true}
          %dma_wait3A_537 = arith.constant 0 : i32
          %dma_wait3A_538 = arith.constant 0 : i32
          %dma_wait3A_539 = tpu.memref_slice %arg20[%dma_wait3A_537, %dma_wait3A_538] : memref<64x128xf32, #tpu.memory_space<vmem_shared>> -> memref<64x128xf32, #tpu.memory_space<vmem_shared>>
          tpu.wait_indirect_dma semaphore(%run_scoped3A : memref<!tpu.dma_semaphore, #tpu.memory_space<semaphore_mem>>) src(%arg13 : memref<80x128xf32, #tpu.memory_space<vmem>>) dst(%dma_wait3A_539 : memref<64x128xf32, #tpu.memory_space<vmem_shared>>)
          tpu.yield
        }) : () -> ()
        "tpu.region"() ({
          %run_scoped3A = tpu.sem_alloc : memref<!tpu.dma_semaphore, #tpu.memory_space<semaphore_mem>>
          %dma_start3A_534 = arith.constant 0 : i32
          %dma_start3A_535 = arith.constant 0 : i32
          %dma_start3A_536 = tpu.memref_slice %arg20[%dma_start3A_534, %dma_start3A_535] : memref<64x128xf32, #tpu.memory_space<vmem_shared>> -> memref<64x128xf32, #tpu.memory_space<vmem_shared>>
          tpu.enqueue_indirect_dma source(%arg13 : memref<80x128xf32, #tpu.memory_space<vmem>>) target(%dma_start3A_536 : memref<64x128xf32, #tpu.memory_space<vmem_shared>>) offsets(%arg9 : memref<80xi32, #tpu.memory_space<vmem>>) semaphore(%run_scoped3A : memref<!tpu.dma_semaphore, #tpu.memory_space<semaphore_mem>>) {add = true}
          %dma_wait3A_537 = arith.constant 0 : i32
          %dma_wait3A_538 = arith.constant 0 : i32
          %dma_wait3A_539 = tpu.memref_slice %arg20[%dma_wait3A_537, %dma_wait3A_538] : memref<64x128xf32, #tpu.memory_space<vmem_shared>> -> memref<64x128xf32, #tpu.memory_space<vmem_shared>>
          tpu.wait_indirect_dma semaphore(%run_scoped3A : memref<!tpu.dma_semaphore, #tpu.memory_space<semaphore_mem>>) src(%arg13 : memref<80x128xf32, #tpu.memory_space<vmem>>) dst(%dma_wait3A_539 : memref<64x128xf32, #tpu.memory_space<vmem_shared>>)
          tpu.yield
        }) : () -> ()
        "tpu.region"() ({
          %run_scoped3A = tpu.sem_alloc : memref<!tpu.dma_semaphore, #tpu.memory_space<semaphore_mem>>
          %dma_start3A_534 = arith.constant 0 : i32
          %dma_start3A_535 = arith.constant 0 : i32
          %dma_start3A_536 = tpu.memref_slice %arg20[%dma_start3A_534, %dma_start3A_535] : memref<64x128xf32, #tpu.memory_space<vmem_shared>> -> memref<64x128xf32, #tpu.memory_space<vmem_shared>>
          tpu.enqueue_indirect_dma source(%arg13 : memref<80x128xf32, #tpu.memory_space<vmem>>) target(%dma_start3A_536 : memref<64x128xf32, #tpu.memory_space<vmem_shared>>) offsets(%arg10 : memref<80xi32, #tpu.memory_space<vmem>>) semaphore(%run_scoped3A : memref<!tpu.dma_semaphore, #tpu.memory_space<semaphore_mem>>) {add = true}
          %dma_wait3A_537 = arith.constant 0 : i32
          %dma_wait3A_538 = arith.constant 0 : i32
          %dma_wait3A_539 = tpu.memref_slice %arg20[%dma_wait3A_537, %dma_wait3A_538] : memref<64x128xf32, #tpu.memory_space<vmem_shared>> -> memref<64x128xf32, #tpu.memory_space<vmem_shared>>
          tpu.wait_indirect_dma semaphore(%run_scoped3A : memref<!tpu.dma_semaphore, #tpu.memory_space<semaphore_mem>>) src(%arg13 : memref<80x128xf32, #tpu.memory_space<vmem>>) dst(%dma_wait3A_539 : memref<64x128xf32, #tpu.memory_space<vmem_shared>>)
          tpu.yield
        }) : () -> ()
        %dma_wait3A_528 = arith.constant 0 : i32
        %dma_wait3A_529 = tpu.memref_slice %arg2[%add3A_521, %add3A_415, %dma_wait3A_528] : memref<4x100000x128xf32, #tpu.memory_space<hbm>> -> memref<1x400x128xf32, #tpu.memory_space<hbm>>
        %dma_wait3A_530 = tpu.memref_squeeze %dma_wait3A_529 : memref<1x400x128xf32, #tpu.memory_space<hbm>> -> memref<400x128xf32, #tpu.memory_space<hbm>>
        %dma_wait3A_531 = arith.constant 0 : i32
        %dma_wait3A_532 = tpu.memref_slice %arg2[%add3A_521, %add3A_415, %dma_wait3A_531] : memref<4x100000x128xf32, #tpu.memory_space<hbm>> -> memref<1x400x128xf32, #tpu.memory_space<hbm>>
        %dma_wait3A_533 = tpu.memref_squeeze %dma_wait3A_532 : memref<1x400x128xf32, #tpu.memory_space<hbm>> -> memref<400x128xf32, #tpu.memory_space<hbm>>
        tpu.wait_dma2 semaphore(%arg17 : memref<!tpu.dma_semaphore, #tpu.memory_space<semaphore_mem>>) src(%dma_wait3A_533 : memref<400x128xf32, #tpu.memory_space<hbm>>) dst(%arg12 : memref<400x128xf32, #tpu.memory_space<vmem>>)
        "tpu.region"() ({
          %run_scoped3A = tpu.sem_alloc : memref<!tpu.dma_semaphore, #tpu.memory_space<semaphore_mem>>
          %dma_start3A_534 = arith.constant 0 : i32
          %dma_start3A_535 = arith.constant 0 : i32
          %dma_start3A_536 = tpu.memref_slice %arg12[%dma_start3A_534, %dma_start3A_535] : memref<400x128xf32, #tpu.memory_space<vmem>> -> memref<80x128xf32, #tpu.memory_space<vmem>>
          %dma_start3A_537 = arith.constant 0 : i32
          %dma_start3A_538 = arith.constant 0 : i32
          %dma_start3A_539 = tpu.memref_slice %arg19[%dma_start3A_537, %dma_start3A_538] : memref<64x128xf32, #tpu.memory_space<vmem_shared>> -> memref<64x128xf32, #tpu.memory_space<vmem_shared>>
          tpu.enqueue_indirect_dma source(%dma_start3A_536 : memref<80x128xf32, #tpu.memory_space<vmem>>) target(%dma_start3A_539 : memref<64x128xf32, #tpu.memory_space<vmem_shared>>) offsets(%arg6 : memref<80xi32, #tpu.memory_space<vmem>>) semaphore(%run_scoped3A : memref<!tpu.dma_semaphore, #tpu.memory_space<semaphore_mem>>) {add = true}
          %dma_wait3A_540 = arith.constant 0 : i32
          %dma_wait3A_541 = arith.constant 0 : i32
          %dma_wait3A_542 = tpu.memref_slice %arg12[%dma_wait3A_540, %dma_wait3A_541] : memref<400x128xf32, #tpu.memory_space<vmem>> -> memref<80x128xf32, #tpu.memory_space<vmem>>
          %dma_wait3A_543 = arith.constant 0 : i32
          %dma_wait3A_544 = arith.constant 0 : i32
          %dma_wait3A_545 = tpu.memref_slice %arg19[%dma_wait3A_543, %dma_wait3A_544] : memref<64x128xf32, #tpu.memory_space<vmem_shared>> -> memref<64x128xf32, #tpu.memory_space<vmem_shared>>
          tpu.wait_indirect_dma semaphore(%run_scoped3A : memref<!tpu.dma_semaphore, #tpu.memory_space<semaphore_mem>>) src(%dma_wait3A_542 : memref<80x128xf32, #tpu.memory_space<vmem>>) dst(%dma_wait3A_545 : memref<64x128xf32, #tpu.memory_space<vmem_shared>>)
          tpu.yield
        }) : () -> ()
        "tpu.region"() ({
          %run_scoped3A = tpu.sem_alloc : memref<!tpu.dma_semaphore, #tpu.memory_space<semaphore_mem>>
          %dma_start3A_534 = arith.constant 80 : i32
          %dma_start3A_535 = arith.constant 0 : i32
          %dma_start3A_536 = tpu.memref_slice %arg12[%dma_start3A_534, %dma_start3A_535] : memref<400x128xf32, #tpu.memory_space<vmem>> -> memref<80x128xf32, #tpu.memory_space<vmem>>
          %dma_start3A_537 = arith.constant 0 : i32
          %dma_start3A_538 = arith.constant 0 : i32
          %dma_start3A_539 = tpu.memref_slice %arg19[%dma_start3A_537, %dma_start3A_538] : memref<64x128xf32, #tpu.memory_space<vmem_shared>> -> memref<64x128xf32, #tpu.memory_space<vmem_shared>>
          tpu.enqueue_indirect_dma source(%dma_start3A_536 : memref<80x128xf32, #tpu.memory_space<vmem>>) target(%dma_start3A_539 : memref<64x128xf32, #tpu.memory_space<vmem_shared>>) offsets(%arg7 : memref<80xi32, #tpu.memory_space<vmem>>) semaphore(%run_scoped3A : memref<!tpu.dma_semaphore, #tpu.memory_space<semaphore_mem>>) {add = true}
          %dma_wait3A_540 = arith.constant 80 : i32
          %dma_wait3A_541 = arith.constant 0 : i32
          %dma_wait3A_542 = tpu.memref_slice %arg12[%dma_wait3A_540, %dma_wait3A_541] : memref<400x128xf32, #tpu.memory_space<vmem>> -> memref<80x128xf32, #tpu.memory_space<vmem>>
          %dma_wait3A_543 = arith.constant 0 : i32
          %dma_wait3A_544 = arith.constant 0 : i32
          %dma_wait3A_545 = tpu.memref_slice %arg19[%dma_wait3A_543, %dma_wait3A_544] : memref<64x128xf32, #tpu.memory_space<vmem_shared>> -> memref<64x128xf32, #tpu.memory_space<vmem_shared>>
          tpu.wait_indirect_dma semaphore(%run_scoped3A : memref<!tpu.dma_semaphore, #tpu.memory_space<semaphore_mem>>) src(%dma_wait3A_542 : memref<80x128xf32, #tpu.memory_space<vmem>>) dst(%dma_wait3A_545 : memref<64x128xf32, #tpu.memory_space<vmem_shared>>)
          tpu.yield
        }) : () -> ()
        "tpu.region"() ({
          %run_scoped3A = tpu.sem_alloc : memref<!tpu.dma_semaphore, #tpu.memory_space<semaphore_mem>>
          %dma_start3A_534 = arith.constant 160 : i32
          %dma_start3A_535 = arith.constant 0 : i32
          %dma_start3A_536 = tpu.memref_slice %arg12[%dma_start3A_534, %dma_start3A_535] : memref<400x128xf32, #tpu.memory_space<vmem>> -> memref<80x128xf32, #tpu.memory_space<vmem>>
          %dma_start3A_537 = arith.constant 0 : i32
          %dma_start3A_538 = arith.constant 0 : i32
          %dma_start3A_539 = tpu.memref_slice %arg19[%dma_start3A_537, %dma_start3A_538] : memref<64x128xf32, #tpu.memory_space<vmem_shared>> -> memref<64x128xf32, #tpu.memory_space<vmem_shared>>
          tpu.enqueue_indirect_dma source(%dma_start3A_536 : memref<80x128xf32, #tpu.memory_space<vmem>>) target(%dma_start3A_539 : memref<64x128xf32, #tpu.memory_space<vmem_shared>>) offsets(%arg8 : memref<80xi32, #tpu.memory_space<vmem>>) semaphore(%run_scoped3A : memref<!tpu.dma_semaphore, #tpu.memory_space<semaphore_mem>>) {add = true}
          %dma_wait3A_540 = arith.constant 160 : i32
          %dma_wait3A_541 = arith.constant 0 : i32
          %dma_wait3A_542 = tpu.memref_slice %arg12[%dma_wait3A_540, %dma_wait3A_541] : memref<400x128xf32, #tpu.memory_space<vmem>> -> memref<80x128xf32, #tpu.memory_space<vmem>>
          %dma_wait3A_543 = arith.constant 0 : i32
          %dma_wait3A_544 = arith.constant 0 : i32
          %dma_wait3A_545 = tpu.memref_slice %arg19[%dma_wait3A_543, %dma_wait3A_544] : memref<64x128xf32, #tpu.memory_space<vmem_shared>> -> memref<64x128xf32, #tpu.memory_space<vmem_shared>>
          tpu.wait_indirect_dma semaphore(%run_scoped3A : memref<!tpu.dma_semaphore, #tpu.memory_space<semaphore_mem>>) src(%dma_wait3A_542 : memref<80x128xf32, #tpu.memory_space<vmem>>) dst(%dma_wait3A_545 : memref<64x128xf32, #tpu.memory_space<vmem_shared>>)
          tpu.yield
        }) : () -> ()
        "tpu.region"() ({
          %run_scoped3A = tpu.sem_alloc : memref<!tpu.dma_semaphore, #tpu.memory_space<semaphore_mem>>
          %dma_start3A_534 = arith.constant 240 : i32
          %dma_start3A_535 = arith.constant 0 : i32
          %dma_start3A_536 = tpu.memref_slice %arg12[%dma_start3A_534, %dma_start3A_535] : memref<400x128xf32, #tpu.memory_space<vmem>> -> memref<80x128xf32, #tpu.memory_space<vmem>>
          %dma_start3A_537 = arith.constant 0 : i32
          %dma_start3A_538 = arith.constant 0 : i32
          %dma_start3A_539 = tpu.memref_slice %arg19[%dma_start3A_537, %dma_start3A_538] : memref<64x128xf32, #tpu.memory_space<vmem_shared>> -> memref<64x128xf32, #tpu.memory_space<vmem_shared>>
          tpu.enqueue_indirect_dma source(%dma_start3A_536 : memref<80x128xf32, #tpu.memory_space<vmem>>) target(%dma_start3A_539 : memref<64x128xf32, #tpu.memory_space<vmem_shared>>) offsets(%arg9 : memref<80xi32, #tpu.memory_space<vmem>>) semaphore(%run_scoped3A : memref<!tpu.dma_semaphore, #tpu.memory_space<semaphore_mem>>) {add = true}
          %dma_wait3A_540 = arith.constant 240 : i32
          %dma_wait3A_541 = arith.constant 0 : i32
          %dma_wait3A_542 = tpu.memref_slice %arg12[%dma_wait3A_540, %dma_wait3A_541] : memref<400x128xf32, #tpu.memory_space<vmem>> -> memref<80x128xf32, #tpu.memory_space<vmem>>
          %dma_wait3A_543 = arith.constant 0 : i32
          %dma_wait3A_544 = arith.constant 0 : i32
          %dma_wait3A_545 = tpu.memref_slice %arg19[%dma_wait3A_543, %dma_wait3A_544] : memref<64x128xf32, #tpu.memory_space<vmem_shared>> -> memref<64x128xf32, #tpu.memory_space<vmem_shared>>
          tpu.wait_indirect_dma semaphore(%run_scoped3A : memref<!tpu.dma_semaphore, #tpu.memory_space<semaphore_mem>>) src(%dma_wait3A_542 : memref<80x128xf32, #tpu.memory_space<vmem>>) dst(%dma_wait3A_545 : memref<64x128xf32, #tpu.memory_space<vmem_shared>>)
          tpu.yield
        }) : () -> ()
        "tpu.region"() ({
          %run_scoped3A = tpu.sem_alloc : memref<!tpu.dma_semaphore, #tpu.memory_space<semaphore_mem>>
          %dma_start3A_534 = arith.constant 320 : i32
          %dma_start3A_535 = arith.constant 0 : i32
          %dma_start3A_536 = tpu.memref_slice %arg12[%dma_start3A_534, %dma_start3A_535] : memref<400x128xf32, #tpu.memory_space<vmem>> -> memref<80x128xf32, #tpu.memory_space<vmem>>
          %dma_start3A_537 = arith.constant 0 : i32
          %dma_start3A_538 = arith.constant 0 : i32
          %dma_start3A_539 = tpu.memref_slice %arg19[%dma_start3A_537, %dma_start3A_538] : memref<64x128xf32, #tpu.memory_space<vmem_shared>> -> memref<64x128xf32, #tpu.memory_space<vmem_shared>>
          tpu.enqueue_indirect_dma source(%dma_start3A_536 : memref<80x128xf32, #tpu.memory_space<vmem>>) target(%dma_start3A_539 : memref<64x128xf32, #tpu.memory_space<vmem_shared>>) offsets(%arg10 : memref<80xi32, #tpu.memory_space<vmem>>) semaphore(%run_scoped3A : memref<!tpu.dma_semaphore, #tpu.memory_space<semaphore_mem>>) {add = true}
          %dma_wait3A_540 = arith.constant 320 : i32
          %dma_wait3A_541 = arith.constant 0 : i32
          %dma_wait3A_542 = tpu.memref_slice %arg12[%dma_wait3A_540, %dma_wait3A_541] : memref<400x128xf32, #tpu.memory_space<vmem>> -> memref<80x128xf32, #tpu.memory_space<vmem>>
          %dma_wait3A_543 = arith.constant 0 : i32
          %dma_wait3A_544 = arith.constant 0 : i32
          %dma_wait3A_545 = tpu.memref_slice %arg19[%dma_wait3A_543, %dma_wait3A_544] : memref<64x128xf32, #tpu.memory_space<vmem_shared>> -> memref<64x128xf32, #tpu.memory_space<vmem_shared>>
          tpu.wait_indirect_dma semaphore(%run_scoped3A : memref<!tpu.dma_semaphore, #tpu.memory_space<semaphore_mem>>) src(%dma_wait3A_542 : memref<80x128xf32, #tpu.memory_space<vmem>>) dst(%dma_wait3A_545 : memref<64x128xf32, #tpu.memory_space<vmem_shared>>)
          tpu.yield
        }) : () -> ()
      } else {
      }
    }
    %scan3A_398 = arith.constant 5 : i32
    %barrier3A_399 = arith.constant 0 : index
    tpu.barrier barrier_id(%barrier3A_399)
    %lt3A_400 = arith.constant 8 : i32
    %lt3A_401 = arith.cmpi slt, %arg1, %lt3A_400 : i32
    %convert_element_type3A_402 = arith.extui %lt3A_401 : i1 to i32
    %cond3A_403 = arith.constant 0 : i32
    %cond3A_404 = arith.cmpi ne, %convert_element_type3A_402, %cond3A_403 : i32
    scf.if %cond3A_404 {
      %mul3A = arith.constant 8 : i32
      %mul3A_405 = arith.muli %mul3A, %arg1 : i32
      %mul3A_406 = arith.constant 2 : i32
      %mul3A_407 = arith.muli %arg0, %mul3A_406 : i32
      "tpu.region"() ({
        %run_scoped3A = tpu.sem_alloc : memref<!tpu.dma_semaphore, #tpu.memory_space<semaphore_mem>>
        %dma_start3A = arith.constant 0 : i32
        %dma_start3A_415 = tpu.memref_slice %arg4[%mul3A_407, %mul3A_405, %dma_start3A] : memref<4x64x128xf32, #tpu.memory_space<hbm>> -> memref<1x8x128xf32, #tpu.memory_space<hbm>>
        %dma_start3A_416 = tpu.memref_squeeze %dma_start3A_415 : memref<1x8x128xf32, #tpu.memory_space<hbm>> -> memref<8x128xf32, #tpu.memory_space<hbm>>
        %dma_start3A_417 = arith.constant 0 : i32
        %dma_start3A_418 = tpu.memref_slice %arg18[%mul3A_405, %dma_start3A_417] : memref<64x128xf32, #tpu.memory_space<vmem_shared>> -> memref<8x128xf32, #tpu.memory_space<vmem_shared>>
        tpu.enqueue_dma source(%dma_start3A_418 : memref<8x128xf32, #tpu.memory_space<vmem_shared>>) target(%dma_start3A_416 : memref<8x128xf32, #tpu.memory_space<hbm>>) target_semaphore(%run_scoped3A : memref<!tpu.dma_semaphore, #tpu.memory_space<semaphore_mem>>)
        %dma_wait3A = arith.constant 0 : i32
        %dma_wait3A_419 = tpu.memref_slice %arg4[%mul3A_407, %mul3A_405, %dma_wait3A] : memref<4x64x128xf32, #tpu.memory_space<hbm>> -> memref<1x8x128xf32, #tpu.memory_space<hbm>>
        %dma_wait3A_420 = tpu.memref_squeeze %dma_wait3A_419 : memref<1x8x128xf32, #tpu.memory_space<hbm>> -> memref<8x128xf32, #tpu.memory_space<hbm>>
        %dma_wait3A_421 = arith.constant 0 : i32
        %dma_wait3A_422 = tpu.memref_slice %arg18[%mul3A_405, %dma_wait3A_421] : memref<64x128xf32, #tpu.memory_space<vmem_shared>> -> memref<8x128xf32, #tpu.memory_space<vmem_shared>>
        tpu.wait_dma2 semaphore(%run_scoped3A : memref<!tpu.dma_semaphore, #tpu.memory_space<semaphore_mem>>) src(%dma_wait3A_422 : memref<8x128xf32, #tpu.memory_space<vmem_shared>>) dst(%dma_wait3A_420 : memref<8x128xf32, #tpu.memory_space<hbm>>)
        tpu.yield
      }) : () -> ()
      %mul3A_408 = arith.constant 2 : i32
      %mul3A_409 = arith.muli %arg0, %mul3A_408 : i32
      %add3A = arith.constant 1 : i32
      %add3A_410 = arith.addi %mul3A_409, %add3A : i32
      "tpu.region"() ({
        %run_scoped3A = tpu.sem_alloc : memref<!tpu.dma_semaphore, #tpu.memory_space<semaphore_mem>>
        %dma_start3A = arith.constant 0 : i32
        %dma_start3A_415 = tpu.memref_slice %arg4[%add3A_410, %mul3A_405, %dma_start3A] : memref<4x64x128xf32, #tpu.memory_space<hbm>> -> memref<1x8x128xf32, #tpu.memory_space<hbm>>
        %dma_start3A_416 = tpu.memref_squeeze %dma_start3A_415 : memref<1x8x128xf32, #tpu.memory_space<hbm>> -> memref<8x128xf32, #tpu.memory_space<hbm>>
        %dma_start3A_417 = arith.constant 0 : i32
        %dma_start3A_418 = tpu.memref_slice %arg19[%mul3A_405, %dma_start3A_417] : memref<64x128xf32, #tpu.memory_space<vmem_shared>> -> memref<8x128xf32, #tpu.memory_space<vmem_shared>>
        tpu.enqueue_dma source(%dma_start3A_418 : memref<8x128xf32, #tpu.memory_space<vmem_shared>>) target(%dma_start3A_416 : memref<8x128xf32, #tpu.memory_space<hbm>>) target_semaphore(%run_scoped3A : memref<!tpu.dma_semaphore, #tpu.memory_space<semaphore_mem>>)
        %dma_wait3A = arith.constant 0 : i32
        %dma_wait3A_419 = tpu.memref_slice %arg4[%add3A_410, %mul3A_405, %dma_wait3A] : memref<4x64x128xf32, #tpu.memory_space<hbm>> -> memref<1x8x128xf32, #tpu.memory_space<hbm>>
        %dma_wait3A_420 = tpu.memref_squeeze %dma_wait3A_419 : memref<1x8x128xf32, #tpu.memory_space<hbm>> -> memref<8x128xf32, #tpu.memory_space<hbm>>
        %dma_wait3A_421 = arith.constant 0 : i32
        %dma_wait3A_422 = tpu.memref_slice %arg19[%mul3A_405, %dma_wait3A_421] : memref<64x128xf32, #tpu.memory_space<vmem_shared>> -> memref<8x128xf32, #tpu.memory_space<vmem_shared>>
        tpu.wait_dma2 semaphore(%run_scoped3A : memref<!tpu.dma_semaphore, #tpu.memory_space<semaphore_mem>>) src(%dma_wait3A_422 : memref<8x128xf32, #tpu.memory_space<vmem_shared>>) dst(%dma_wait3A_420 : memref<8x128xf32, #tpu.memory_space<hbm>>)
        tpu.yield
      }) : () -> ()
      %eq3A = arith.constant 0 : i32
      %eq3A_411 = arith.cmpi eq, %arg0, %eq3A : i32
      %convert_element_type3A_412 = arith.extui %eq3A_411 : i1 to i32
      %cond3A_413 = arith.constant 0 : i32
      %cond3A_414 = arith.cmpi ne, %convert_element_type3A_412, %cond3A_413 : i32
      scf.if %cond3A_414 {
        "tpu.region"() ({
          %run_scoped3A = tpu.sem_alloc : memref<!tpu.dma_semaphore, #tpu.memory_space<semaphore_mem>>
          %dma_start3A = arith.constant 0 : i32
          %dma_start3A_415 = tpu.memref_slice %arg5[%mul3A_405, %dma_start3A] : memref<64x128xf32, #tpu.memory_space<hbm>> -> memref<8x128xf32, #tpu.memory_space<hbm>>
          %dma_start3A_416 = arith.constant 0 : i32
          %dma_start3A_417 = tpu.memref_slice %arg20[%mul3A_405, %dma_start3A_416] : memref<64x128xf32, #tpu.memory_space<vmem_shared>> -> memref<8x128xf32, #tpu.memory_space<vmem_shared>>
          tpu.enqueue_dma source(%dma_start3A_417 : memref<8x128xf32, #tpu.memory_space<vmem_shared>>) target(%dma_start3A_415 : memref<8x128xf32, #tpu.memory_space<hbm>>) target_semaphore(%run_scoped3A : memref<!tpu.dma_semaphore, #tpu.memory_space<semaphore_mem>>)
          %dma_wait3A = arith.constant 0 : i32
          %dma_wait3A_418 = tpu.memref_slice %arg5[%mul3A_405, %dma_wait3A] : memref<64x128xf32, #tpu.memory_space<hbm>> -> memref<8x128xf32, #tpu.memory_space<hbm>>
          %dma_wait3A_419 = arith.constant 0 : i32
          %dma_wait3A_420 = tpu.memref_slice %arg20[%mul3A_405, %dma_wait3A_419] : memref<64x128xf32, #tpu.memory_space<vmem_shared>> -> memref<8x128xf32, #tpu.memory_space<vmem_shared>>
          tpu.wait_dma2 semaphore(%run_scoped3A : memref<!tpu.dma_semaphore, #tpu.memory_space<semaphore_mem>>) src(%dma_wait3A_420 : memref<8x128xf32, #tpu.memory_space<vmem_shared>>) dst(%dma_wait3A_418 : memref<8x128xf32, #tpu.memory_space<hbm>>)
          tpu.yield
        }) : () -> ()
      } else {
      }
    } else {
    }
    return
  }
}

module attributes {stable_mosaic.version = 14 : i64} {
  func.func @_combine_body(%arg0: memref<4x64x128xf32, #tpu.memory_space<vmem>>, %arg1: memref<64x128xf32, #tpu.memory_space<vmem>>, %arg2: memref<4x64x128xf32, #tpu.memory_space<vmem>>, %arg3: memref<64x128xf32, #tpu.memory_space<vmem>>, %arg4: memref<4x64x128xf32, #tpu.memory_space<vmem>>) attributes {dimension_semantics = [], scalar_prefetch = 0 : i64, scratch_operands = 0 : i64, tpu.core_type = #tpu.core_type<tc>} {
    %get3A = arith.constant 0 : index
    %get3A_0 = arith.constant 0 : index
    %get3A_1 = vector.load %arg1[%get3A, %get3A_0] : memref<64x128xf32, #tpu.memory_space<vmem>>, vector<64x128xf32>
    %get3A_2 = arith.constant 0 : index
    %get3A_3 = arith.constant 0 : index
    %get3A_4 = vector.load %arg3[%get3A_2, %get3A_3] : memref<64x128xf32, #tpu.memory_space<vmem>>, vector<64x128xf32>
    %add3A = arith.addf %get3A_1, %get3A_4 : vector<64x128xf32>
    %get3A_5 = arith.constant 0 : index
    %get3A_6 = arith.constant 0 : index
    %get3A_7 = arith.constant 0 : index
    %get3A_8 = vector.load %arg0[%get3A_5, %get3A_6, %get3A_7] : memref<4x64x128xf32, #tpu.memory_space<vmem>>, vector<4x64x128xf32>
    %get3A_9 = arith.constant 0 : index
    %get3A_10 = arith.constant 0 : index
    %get3A_11 = arith.constant 0 : index
    %get3A_12 = vector.load %arg2[%get3A_9, %get3A_10, %get3A_11] : memref<4x64x128xf32, #tpu.memory_space<vmem>>, vector<4x64x128xf32>
    %add3A_13 = arith.addf %get3A_8, %get3A_12 : vector<4x64x128xf32>
    %broadcast_in_dim3A = vector.shape_cast %add3A : vector<64x128xf32> to vector<1x64x128xf32>
    %div3A = vector.broadcast %broadcast_in_dim3A : vector<1x64x128xf32> to vector<4x64x128xf32>
    %div3A_14 = arith.divf %add3A_13, %div3A : vector<4x64x128xf32>
    %swap3A = arith.constant 0 : index
    %swap3A_15 = arith.constant 0 : index
    %swap3A_16 = arith.constant 0 : index
    %swap3A_17 = vector.load %arg4[%swap3A, %swap3A_15, %swap3A_16] : memref<4x64x128xf32, #tpu.memory_space<vmem>>, vector<4x64x128xf32>
    tpu.vector_store %arg4[%swap3A, %swap3A_15, %swap3A_16], %div3A_14 {strides = array<i32>} : memref<4x64x128xf32, #tpu.memory_space<vmem>>, vector<4x64x128xf32>,
    return
  }
}

module attributes {stable_mosaic.version = 14 : i64} {
  func.func @_tc_body(%arg0: i32, %arg1: memref<1x1x2000xi32, #tpu.memory_space<vmem>>, %arg2: memref<4x2000x128xf32, #tpu.memory_space<vmem>>, %arg3: memref<4x64x128xf32, #tpu.memory_space<vmem>>, %arg4: memref<64x128xf32, #tpu.memory_space<vmem>>) attributes {dimension_semantics = [#tpu.dimension_semantics<arbitrary>], iteration_bounds = array<i64: 34>, scalar_prefetch = 0 : i64, scratch_operands = 0 : i64, tpu.core_type = #tpu.core_type<tc>, window_params = [{transform_indices = @transform_0, window_bounds = array<i64: 1, 1, 2000>}, {transform_indices = @transform_1, window_bounds = array<i64: 4, 2000, 128>}, {pipeline_mode = #tpu.pipeline_mode<synchronous>, transform_indices = @transform_2, window_bounds = array<i64: 4, 64, 128>}, {pipeline_mode = #tpu.pipeline_mode<synchronous>, transform_indices = @transform_3, window_bounds = array<i64: 64, 128>}]} {
    %eq3A = arith.constant 0 : i32
    %eq3A_0 = arith.cmpi eq, %arg0, %eq3A : i32
    %convert_element_type3A = arith.extui %eq3A_0 : i1 to i32
    %cond3A = arith.constant 0 : i32
    %cond3A_1 = arith.cmpi ne, %convert_element_type3A, %cond3A : i32
    scf.if %cond3A_1 {
      %broadcast_in_dim3A_93 = arith.constant 0.000000e+00 : f32
      %broadcast_in_dim3A_94 = vector.broadcast %broadcast_in_dim3A_93 : f32 to vector<4x64x128xf32>
      %swap3A_95 = arith.constant 0 : index
      %swap3A_96 = arith.constant 0 : index
      %swap3A_97 = arith.constant 0 : index
      %swap3A_98 = vector.load %arg3[%swap3A_95, %swap3A_96, %swap3A_97] : memref<4x64x128xf32, #tpu.memory_space<vmem>>, vector<4x64x128xf32>
      tpu.vector_store %arg3[%swap3A_95, %swap3A_96, %swap3A_97], %broadcast_in_dim3A_94 {strides = array<i32>} : memref<4x64x128xf32, #tpu.memory_space<vmem>>, vector<4x64x128xf32>,
      %broadcast_in_dim3A_99 = arith.constant 0.000000e+00 : f32
      %broadcast_in_dim3A_100 = vector.broadcast %broadcast_in_dim3A_99 : f32 to vector<64x128xf32>
      %swap3A_101 = arith.constant 0 : index
      %swap3A_102 = arith.constant 0 : index
      %swap3A_103 = vector.load %arg4[%swap3A_101, %swap3A_102] : memref<64x128xf32, #tpu.memory_space<vmem>>, vector<64x128xf32>
      tpu.vector_store %arg4[%swap3A_101, %swap3A_102], %broadcast_in_dim3A_100 {strides = array<i32>} : memref<64x128xf32, #tpu.memory_space<vmem>>, vector<64x128xf32>,
    } else {
    }
    %get3A = arith.constant 0 : index
    %get3A_2 = arith.constant 0 : index
    %get3A_3 = arith.constant 0 : index
    %get3A_4 = vector.load %arg1[%get3A, %get3A_2, %get3A_3] : memref<1x1x2000xi32, #tpu.memory_space<vmem>>, vector<1x1x2000xi32>
    %get3A_5 = vector.shape_cast %get3A_4 : vector<1x1x2000xi32> to vector<1x2000xi32>
    %iota3A = tpu.iota {dimensions = array<i32: 0>} : vector<64x2000xi32>
    %eq3A_6 = vector.broadcast %get3A_5 : vector<1x2000xi32> to vector<64x2000xi32>
    %eq3A_7 = arith.cmpi eq, %eq3A_6, %iota3A : vector<64x2000xi32>
    %convert_element_type3A_8 = arith.extui %eq3A_7 : vector<64x2000xi1> to vector<64x2000xi32>
    %convert_element_type3A_9 = arith.sitofp %convert_element_type3A_8 : vector<64x2000xi32> to vector<64x2000xf32>
    %get3A_10 = arith.constant 0 : index
    %get3A_11 = arith.constant 0 : index
    %get3A_12 = vector.load %arg4[%get3A_10, %get3A_11] : memref<64x128xf32, #tpu.memory_space<vmem>>, vector<64x128xf32>
    %reduce_sum3A = arith.constant dense<0.000000e+00> : vector<64xf32>
    %reduce_sum3A_13 = vector.multi_reduction <add>, %convert_element_type3A_9, %reduce_sum3A [1] : vector<64x2000xf32> to vector<64xf32>
    %broadcast_in_dim3A = vector.shape_cast %reduce_sum3A_13 : vector<64xf32> to vector<64x1xf32>
    %broadcast_in_dim3A_14 = vector.shape_cast %broadcast_in_dim3A : vector<64x1xf32> to vector<64x1xf32>
    %broadcast_in_dim3A_15 = vector.broadcast %broadcast_in_dim3A_14 : vector<64x1xf32> to vector<64x128xf32>
    %add3A = arith.addf %get3A_12, %broadcast_in_dim3A_15 : vector<64x128xf32>
    %swap3A = arith.constant 0 : index
    %swap3A_16 = arith.constant 0 : index
    %swap3A_17 = vector.load %arg4[%swap3A, %swap3A_16] : memref<64x128xf32, #tpu.memory_space<vmem>>, vector<64x128xf32>
    tpu.vector_store %arg4[%swap3A, %swap3A_16], %add3A {strides = array<i32>} : memref<64x128xf32, #tpu.memory_space<vmem>>, vector<64x128xf32>,
    %get3A_18 = arith.constant 0 : index
    %get3A_19 = arith.constant 0 : index
    %get3A_20 = arith.constant 0 : index
    %get3A_21 = vector.load %arg3[%get3A_18, %get3A_19, %get3A_20] : memref<4x64x128xf32, #tpu.memory_space<vmem>>, vector<1x64x128xf32>
    %get3A_22 = vector.shape_cast %get3A_21 : vector<1x64x128xf32> to vector<64x128xf32>
    %get3A_23 = arith.constant 0 : index
    %get3A_24 = arith.constant 0 : index
    %get3A_25 = arith.constant 0 : index
    %get3A_26 = vector.load %arg2[%get3A_23, %get3A_24, %get3A_25] : memref<4x2000x128xf32, #tpu.memory_space<vmem>>, vector<1x2000x128xf32>
    %get3A_27 = vector.shape_cast %get3A_26 : vector<1x2000x128xf32> to vector<2000x128xf32>
    %dot_general3A = arith.constant dense<0.000000e+00> : vector<64x128xf32>
    %dot_general3A_28 = tpu.matmul %convert_element_type3A_9, %get3A_27, %dot_general3A {dimension_numbers = #tpu.dot_dimension_numbers<[1], [0], [0], [1], [0, 0, 1, 1], [], []>, transpose_lhs_hint = false} : vector<64x2000xf32>, vector<2000x128xf32>, vector<64x128xf32> -> vector<64x128xf32>
    %add3A_29 = arith.addf %get3A_22, %dot_general3A_28 : vector<64x128xf32>
    %swap3A_30 = arith.constant 0 : index
    %swap3A_31 = arith.constant 0 : index
    %swap3A_32 = arith.constant 0 : index
    %swap3A_33 = vector.load %arg3[%swap3A_30, %swap3A_31, %swap3A_32] : memref<4x64x128xf32, #tpu.memory_space<vmem>>, vector<1x64x128xf32>
    %swap3A_34 = vector.shape_cast %swap3A_33 : vector<1x64x128xf32> to vector<64x128xf32>
    %swap3A_35 = vector.shape_cast %add3A_29 : vector<64x128xf32> to vector<1x64x128xf32>
    tpu.vector_store %arg3[%swap3A_30, %swap3A_31, %swap3A_32], %swap3A_35 {strides = array<i32>} : memref<4x64x128xf32, #tpu.memory_space<vmem>>, vector<1x64x128xf32>,
    %get3A_36 = arith.constant 1 : index
    %get3A_37 = arith.constant 0 : index
    %get3A_38 = arith.constant 0 : index
    %get3A_39 = vector.load %arg3[%get3A_36, %get3A_37, %get3A_38] : memref<4x64x128xf32, #tpu.memory_space<vmem>>, vector<1x64x128xf32>
    %get3A_40 = vector.shape_cast %get3A_39 : vector<1x64x128xf32> to vector<64x128xf32>
    %get3A_41 = arith.constant 1 : index
    %get3A_42 = arith.constant 0 : index
    %get3A_43 = arith.constant 0 : index
    %get3A_44 = vector.load %arg2[%get3A_41, %get3A_42, %get3A_43] : memref<4x2000x128xf32, #tpu.memory_space<vmem>>, vector<1x2000x128xf32>
    %get3A_45 = vector.shape_cast %get3A_44 : vector<1x2000x128xf32> to vector<2000x128xf32>
    %dot_general3A_46 = arith.constant dense<0.000000e+00> : vector<64x128xf32>
    %dot_general3A_47 = tpu.matmul %convert_element_type3A_9, %get3A_45, %dot_general3A_46 {dimension_numbers = #tpu.dot_dimension_numbers<[1], [0], [0], [1], [0, 0, 1, 1], [], []>, transpose_lhs_hint = false} : vector<64x2000xf32>, vector<2000x128xf32>, vector<64x128xf32> -> vector<64x128xf32>
    %add3A_48 = arith.addf %get3A_40, %dot_general3A_47 : vector<64x128xf32>
    %swap3A_49 = arith.constant 1 : index
    %swap3A_50 = arith.constant 0 : index
    %swap3A_51 = arith.constant 0 : index
    %swap3A_52 = vector.load %arg3[%swap3A_49, %swap3A_50, %swap3A_51] : memref<4x64x128xf32, #tpu.memory_space<vmem>>, vector<1x64x128xf32>
    %swap3A_53 = vector.shape_cast %swap3A_52 : vector<1x64x128xf32> to vector<64x128xf32>
    %swap3A_54 = vector.shape_cast %add3A_48 : vector<64x128xf32> to vector<1x64x128xf32>
    tpu.vector_store %arg3[%swap3A_49, %swap3A_50, %swap3A_51], %swap3A_54 {strides = array<i32>} : memref<4x64x128xf32, #tpu.memory_space<vmem>>, vector<1x64x128xf32>,
    %get3A_55 = arith.constant 2 : index
    %get3A_56 = arith.constant 0 : index
    %get3A_57 = arith.constant 0 : index
    %get3A_58 = vector.load %arg3[%get3A_55, %get3A_56, %get3A_57] : memref<4x64x128xf32, #tpu.memory_space<vmem>>, vector<1x64x128xf32>
    %get3A_59 = vector.shape_cast %get3A_58 : vector<1x64x128xf32> to vector<64x128xf32>
    %get3A_60 = arith.constant 2 : index
    %get3A_61 = arith.constant 0 : index
    %get3A_62 = arith.constant 0 : index
    %get3A_63 = vector.load %arg2[%get3A_60, %get3A_61, %get3A_62] : memref<4x2000x128xf32, #tpu.memory_space<vmem>>, vector<1x2000x128xf32>
    %get3A_64 = vector.shape_cast %get3A_63 : vector<1x2000x128xf32> to vector<2000x128xf32>
    %dot_general3A_65 = arith.constant dense<0.000000e+00> : vector<64x128xf32>
    %dot_general3A_66 = tpu.matmul %convert_element_type3A_9, %get3A_64, %dot_general3A_65 {dimension_numbers = #tpu.dot_dimension_numbers<[1], [0], [0], [1], [0, 0, 1, 1], [], []>, transpose_lhs_hint = false} : vector<64x2000xf32>, vector<2000x128xf32>, vector<64x128xf32> -> vector<64x128xf32>
    %add3A_67 = arith.addf %get3A_59, %dot_general3A_66 : vector<64x128xf32>
    %swap3A_68 = arith.constant 2 : index
    %swap3A_69 = arith.constant 0 : index
    %swap3A_70 = arith.constant 0 : index
    %swap3A_71 = vector.load %arg3[%swap3A_68, %swap3A_69, %swap3A_70] : memref<4x64x128xf32, #tpu.memory_space<vmem>>, vector<1x64x128xf32>
    %swap3A_72 = vector.shape_cast %swap3A_71 : vector<1x64x128xf32> to vector<64x128xf32>
    %swap3A_73 = vector.shape_cast %add3A_67 : vector<64x128xf32> to vector<1x64x128xf32>
    tpu.vector_store %arg3[%swap3A_68, %swap3A_69, %swap3A_70], %swap3A_73 {strides = array<i32>} : memref<4x64x128xf32, #tpu.memory_space<vmem>>, vector<1x64x128xf32>,
    %get3A_74 = arith.constant 3 : index
    %get3A_75 = arith.constant 0 : index
    %get3A_76 = arith.constant 0 : index
    %get3A_77 = vector.load %arg3[%get3A_74, %get3A_75, %get3A_76] : memref<4x64x128xf32, #tpu.memory_space<vmem>>, vector<1x64x128xf32>
    %get3A_78 = vector.shape_cast %get3A_77 : vector<1x64x128xf32> to vector<64x128xf32>
    %get3A_79 = arith.constant 3 : index
    %get3A_80 = arith.constant 0 : index
    %get3A_81 = arith.constant 0 : index
    %get3A_82 = vector.load %arg2[%get3A_79, %get3A_80, %get3A_81] : memref<4x2000x128xf32, #tpu.memory_space<vmem>>, vector<1x2000x128xf32>
    %get3A_83 = vector.shape_cast %get3A_82 : vector<1x2000x128xf32> to vector<2000x128xf32>
    %dot_general3A_84 = arith.constant dense<0.000000e+00> : vector<64x128xf32>
    %dot_general3A_85 = tpu.matmul %convert_element_type3A_9, %get3A_83, %dot_general3A_84 {dimension_numbers = #tpu.dot_dimension_numbers<[1], [0], [0], [1], [0, 0, 1, 1], [], []>, transpose_lhs_hint = false} : vector<64x2000xf32>, vector<2000x128xf32>, vector<64x128xf32> -> vector<64x128xf32>
    %add3A_86 = arith.addf %get3A_78, %dot_general3A_85 : vector<64x128xf32>
    %swap3A_87 = arith.constant 3 : index
    %swap3A_88 = arith.constant 0 : index
    %swap3A_89 = arith.constant 0 : index
    %swap3A_90 = vector.load %arg3[%swap3A_87, %swap3A_88, %swap3A_89] : memref<4x64x128xf32, #tpu.memory_space<vmem>>, vector<1x64x128xf32>
    %swap3A_91 = vector.shape_cast %swap3A_90 : vector<1x64x128xf32> to vector<64x128xf32>
    %swap3A_92 = vector.shape_cast %add3A_86 : vector<64x128xf32> to vector<1x64x128xf32>
    tpu.vector_store %arg3[%swap3A_87, %swap3A_88, %swap3A_89], %swap3A_92 {strides = array<i32>} : memref<4x64x128xf32, #tpu.memory_space<vmem>>, vector<1x64x128xf32>,
    return
  }
  func.func @transform_0(%arg0: i32) -> (i32, i32, i32) {
    %c0_i32 = arith.constant 0 : i32
    %c0_i32_0 = arith.constant 0 : i32
    %c0_i32_1 = arith.constant 0 : i32
    return %arg0, %c0_i32, %c0_i32_0 : i32, i32, i32
  }
  func.func @transform_1(%arg0: i32) -> (i32, i32, i32) {
    %c0_i32 = arith.constant 0 : i32
    %c0_i32_0 = arith.constant 0 : i32
    %c0_i32_1 = arith.constant 0 : i32
    return %c0_i32, %arg0, %c0_i32_0 : i32, i32, i32
  }
  func.func @transform_2(%arg0: i32) -> (i32, i32, i32) {
    %c0_i32 = arith.constant 0 : i32
    %c0_i32_0 = arith.constant 0 : i32
    %c0_i32_1 = arith.constant 0 : i32
    %c0_i32_2 = arith.constant 0 : i32
    return %c0_i32, %c0_i32_0, %c0_i32_1 : i32, i32, i32
  }
  func.func @transform_3(%arg0: i32) -> (i32, i32) {
    %c0_i32 = arith.constant 0 : i32
    %c0_i32_0 = arith.constant 0 : i32
    %c0_i32_1 = arith.constant 0 : i32
    return %c0_i32, %c0_i32_0 : i32, i32
  }
}

</mosaic_0001>

<sc_bundles>
// kernel: kernel.5.cloned.1.call-start
scs
__scs_entry_jumppad:
0x0: {  	(pc) =	sbr.rel $0x88, $3  }
0x1: {  	(tag) =	ssettag $0x0;
	lr =	simm.s32 $0x1  }
0x2: {  	[smem:$0x3F9F] =	sst lr;
	_ =	strace $0xD0000000  }
0x3: {  	_ = 	snop  }
0x4: {  	_ = 	snop  }
0x5: {  	_ = 	snop  }
0x6: {  	_ = 	snop  }
0x7: {  	_ = 	snop  }
__scs_overlays_trampoline_lowered:
0x8: {  	[smem:$0x3FAE] =	sst s0  }
0x9: {  	[smem:$0x3FAF] =	sst s1  }
0xa: {  	[smem:$0x3FB0] =	sst s2  }
0xb: {  	[smem:$0x3FB1] =	sst s3  }
0xc: {  	[smem:$0x3FB2] =	sst s4  }
0xd: {  	[smem:$0x3FB3] =	sst s5  }
0xe: {  	[smem:$0x3FB4] =	sst s6  }
0xf: {  	[smem:$0x3FB5] =	sst s7  }
0x10: {  	[smem:$0x3FB6] =	sst s8  }
0x11: {  	[smem:$0x3FB7] =	sst s9;
	s0 =	simm.s32 @!p0 $0x0  }
0x12: {  	s1 =	sld [smem:$0x3F9D];
	s0 =	simm.s32 @p0 $0x1  }
0x13: {  	[smem:$0x3FB8] =	sst s0;
	s0 =	simm.s32 @!p1 $0x0  }
0x14: {  	s2 =	sld [smem:$0x3F9C];
	s0 =	simm.s32 @p1 $0x1  }
0x15: {  	[smem:$0x3FB9] =	sst s0;
	s0 =	simm.s32 @!p2 $0x0  }
0x16: {  	s3 =	sld [smem:$0x3FDB];
	s0 =	simm.s32 @p2 $0x1  }
0x17: {  	s4 =	simm.s32 $0x1BF5;
	[smem:$0x3FBB] =	sst s0  }
0x18: {  	s0 =	sld [smem:$0x3F9E];
	_ =	swait.ge [sflag:s4], $0x0  }
0x19: {  	s7 =	sld [smem:$0x3F9F]  }
0x1a: {  	s8 =	sadd.s32 $0xFFFFE003, lr  }
0x1b: {  	s9 =	sadd.s32 $0xFFFFFEF7, lr;
	s5 =	simm.s32 $0xFFFFFFFF;
	p2 =	slt.u32 s8, $0xFFFFF086  }
0x1c: {  	p1 =	slt.u32 s9, $0xF7A;
	s5 =	simm.s32 @!p2 $0x0  }
0x1d: {  	s5 =	simm.s32 @p1 $0x1;
	p0 =	seq.s32 s7, s2  }
0x1e: {  	s7 =	smul.u32 @!p0 $0xF7A, s2;
	p2 =	seq.s32 @!p0 s5, $0x0  }
0x1f: {  	s9 =	smul.u32 $0xF7A, s1;
	s8 =	simm.s32 @!p0 $0x1BF5;
	p2 =	por !p2, p0  }
0x20: {  	[sflag:s8] =	ssyncset.s32 @!p0 $0xFFFFF086;
	s6 =	sadd.s32 @!p0 s3, s7;
	s7 =	simm.s32 @!p0 $0x108  }
0x21: {  	s3 =	sadd.s32 s3, s9;
	s6 =	sadd.s32 @!p0 $0x88, s6;
	s7 =	simm.s32 @p2 $0x1082  }
0x22: {  	[simem:s7], [sflag:s8] =	dma.local @!p0 [hbm:s6], $0xF7A  }
0x23: {  	s9 =	sor.u32 $0xD0000000, s2;
	s6 =	simm.s32 $0x108;
	_ =	swait.ge @!p0 [sflag:s8], $0x0  }
0x24: {  	s3 =	sadd.s32 $0x88, s3;
	s6 =	simm.s32 @!p1 $0x1082;
	[sflag:s4] =	ssyncset.s32 $0xFFFFF086  }
0x25: {  	[simem:s6], [sflag:s4] =	dma.local [hbm:s3], $0xF7A  }
0x26: {  	[smem:$0x3F9F] =	sst s1;
	(tag) =	ssettag s2;
	_ =	strace s9  }
0x27: {  	s1 =	sld [smem:$0x3FAF]  }
0x28: {  	s2 =	sld [smem:$0x3FB0]  }
0x29: {  	s4 =	sld [smem:$0x3FB2]  }
0x2a: {  	p0 =	seq.s32 s5, $0x0;
	s5 =	sld [smem:$0x3FB3]  }
0x2b: {  	s6 =	sld [smem:$0x3FB4]  }
0x2c: {  	s7 =	sld [smem:$0x3FB5]  }
0x2d: {  	s3 =	simm.s32 $0x108;
	s8 =	sld [smem:$0x3FB6]  }
0x2e: {  	s3 =	simm.s32 @!p0 $0x1082;
	s9 =	sld [smem:$0x3FB7]  }
0x2f: {  	lr =	sadd.s32 s0, s3;
	s0 =	sld [smem:$0x3FAE]  }
0x30: {  	s3 =	sld [smem:$0x3FB1]  }
0x31: {  	[smem:$0x3FBA] =	sst s10  }
0x32: {  	s10 =	sld [smem:$0x3FB8];
	_ =	sdelay $0x3  }
0x33: {  	p0 =	seq.s32 s10, $0x1;
	s10 =	sld [smem:$0x3FBA];
	_ =	sdelay $0x3  }
0x34: {  	[smem:$0x3FBA] =	sst s10  }
0x35: {  	s10 =	sld [smem:$0x3FB9];
	_ =	sdelay $0x3  }
0x36: {  	p1 =	seq.s32 s10, $0x1;
	s10 =	sld [smem:$0x3FBA];
	_ =	sdelay $0x3  }
0x37: {  	[smem:$0x3FBA] =	sst s10  }
0x38: {  	s10 =	sld [smem:$0x3FBB]  }
0x39: {  	_ = 	snop;
	(pc) =	sbr.ind lr, $3  }
0x3a: {  	_ = 	snop  }
0x3b: {  	_ = 	snop  }
0x3c: {  	p2 =	seq.s32 s10, $0x1;
	s10 =	sld [smem:$0x3FBA]  }
0x3d: {  	_ =	shalt  }
0x3e: {  	_ =	shalt  }
0x3f: {  	_ =	shalt  }
0x40: {  	_ =	shalt  }
0x41: {  	_ =	shalt  }
0x42: {  	_ =	shalt  }
0x43: {  	_ =	shalt  }
0x44: {  	_ =	shalt  }
0x45: {  	_ =	shalt  }
0x46: {  	_ =	shalt  }
0x47: {  	_ =	shalt  }
0x48: {  	_ =	shalt  }
0x49: {  	_ =	shalt  }
0x4a: {  	_ =	shalt  }
0x4b: {  	_ =	shalt  }
0x4c: {  	_ =	shalt  }
0x4d: {  	_ =	shalt  }
0x4e: {  	_ =	shalt  }
0x4f: {  	_ =	shalt  }
0x50: {  	_ =	shalt  }
0x51: {  	_ =	shalt  }
0x52: {  	_ =	shalt  }
0x53: {  	_ =	shalt  }
0x54: {  	_ =	shalt  }
0x55: {  	_ =	shalt  }
0x56: {  	_ =	shalt  }
0x57: {  	_ =	shalt  }
0x58: {  	_ =	shalt  }
0x59: {  	_ =	shalt  }
0x5a: {  	_ =	shalt  }
0x5b: {  	_ =	shalt  }
0x5c: {  	_ =	shalt  }
0x5d: {  	_ =	shalt  }
0x5e: {  	_ =	shalt  }
0x5f: {  	_ =	shalt  }
0x60: {  	_ =	shalt  }
0x61: {  	_ =	shalt  }
0x62: {  	_ =	shalt  }
0x63: {  	_ =	shalt  }
0x64: {  	_ =	shalt  }
0x65: {  	_ =	shalt  }
0x66: {  	_ =	shalt  }
0x67: {  	_ =	shalt  }
0x68: {  	_ =	shalt  }
0x69: {  	_ =	shalt  }
0x6a: {  	_ =	shalt  }
0x6b: {  	_ =	shalt  }
0x6c: {  	_ =	shalt  }
0x6d: {  	_ =	shalt  }
0x6e: {  	_ =	shalt  }
0x6f: {  	_ =	shalt  }
0x70: {  	_ =	shalt  }
0x71: {  	_ =	shalt  }
0x72: {  	_ =	shalt  }
0x73: {  	_ =	shalt  }
0x74: {  	_ =	shalt  }
0x75: {  	_ =	shalt  }
0x76: {  	_ =	shalt  }
0x77: {  	_ =	shalt  }
0x78: {  	_ =	shalt  }
0x79: {  	_ =	shalt  }
0x7a: {  	_ =	shalt  }
0x7b: {  	_ =	shalt  }
0x7c: {  	_ =	shalt  }
0x7d: {  	_ =	shalt  }
0x7e: {  	_ =	shalt  }
0x7f: {  	_ =	shalt  }
0x80: {  	_ =	shalt  }
0x81: {  	_ =	shalt  }
0x82: {  	_ =	shalt  }
0x83: {  	_ =	shalt  }
0x84: {  	_ =	shalt  }
0x85: {  	_ =	shalt  }
0x86: {  	_ =	shalt  }
0x87: {  	_ =	shalt  }
.Lfunc_end0:
.L_simem_size_0:
called_computation_lowered:
.L_overlay_start_0:
0x88: {  	s2 =	sld [smem:$0x3FD9]  }
0x89: {  	s3 =	sld [smem:$0x3FFE];
	_ =	sdelay $0x1  }
0x8a: {  	s1 =	srdreg.scid  }
0x8b: {  	s0 =	sand.u32 $0x1, s1  }
0x8c: {  	s17 =	sshll.u32 s0, $0xA;
	s2 =	sadd.s32 s3, s2  }
0x8d: {  	s2 =	sadd.s32 s2, s17  }
0x8e: {  	[smem:$0x3FC6] =	sst s2  }
0x8f: {  	_ = 	snop  }
0x90: {  	s2 =	sld [smem:$0x3FC9]  }
0x91: {  	s18 =	sld [smem:$0x3FD0];
	(tm) =	ssettm $0x1  }
0x92: {  	s4 =	sld [smem:$0x3FFB];
	_ =	sdelay $0x3  }
0x93: {  	_ =	strace s4  }
0x94: {  	s4 =	sld [smem:$0x3FFC];
	_ =	sdelay $0x3  }
0x95: {  	_ =	strace s4  }
0x96: {  	s4 =	sld [smem:$0x3FFD];
	_ =	sdelay $0x3  }
0x97: {  	_ =	strace s4  }
0x98: {  	_ =	strace $0x8FFFFFFF  }
0x99: {  	s19 =	sld [smem:$0x3FDB];
	_ =	sdelay $0x1  }
0x9a: {  	s5 =	simm.s32 $_scs_section_size  }
0x9b: {  	s6 =	simm.s32 $_size__tile_overlayer_lowered;
	s7 =	simm.s32 $_tile_overlayer_lowered  }
0x9c: {  	s22 =	simm.s32 $0x1BFF;
	s21 =	sshll.u32 s7, $0x1;
	s4 =	sadd.s32 s5, s19  }
0x9d: {  	s8 =	simm.s32 $0x0;
	s20 =	sshll.u32 s6, $0x1;
	s6 =	sadd.s32 s21, s4  }
0x9e: {  	[timem:s8], [sflag:s22] =	dma.local [hbm:s6], s20  }
0x9f: {  	_ =	swait.ge [sflag:s22], s20  }
0xa0: {  	s5 =	ssub.s32 $0x0, s20;
	[sflag:s22] =	ssyncset.done $0x0  }
0xa1: {  	[sflag:s22] =	ssyncadd.s32 s5;
	_ =	sdelay $0x1  }
0xa2: {  	s23 =	simm.s32 $0x1B8B  }
0xa3: {  	_ =	swait.ge [sflag:s23], $0x1  }
0xa4: {  	[sflag:s23] =	ssyncset.done $0x0  }
0xa5: {  	s25 =	simm.s32 $0x1B8E;
	s24 =	sld [smem:$0x3FFE];
	[sflag:s23] =	ssyncadd.s32 $0xFFFFFFFF  }
0xa6: {  	s26 =	simm.s32 $execute0_lowered;
	[smem:$0x3FD2] =	sst s25  }
0xa7: {  	s6 =	sshll.u32 s26, $0x1;
	_ =	strace $0x80000046;
	[dreg:$0x1] =	wrdreg $0xFFFFFFFF  }
0xa8: {  	s28 =	simm.s32 $_size_execute0_lowered;
	s4 =	sadd.s32 s4, s6;
	[dreg:$0x0] =	wrdreg $0x0  }
0xa9: {  	s6 =	sshll.u32 s28, $0x1;
	[dreg:$0x2] =	wrdreg s4  }
0xaa: {  	[dreg:$0x3] =	wrdreg s6  }
0xab: {  	[dreg:$0x4] =	wrdreg $0xC0  }
0xac: {  	_ =	task [dreg:s8], $0x5FFFF  }
0xad: {  	[dreg:$0x1] =	wrdreg $0xFFFFFFFF  }
0xae: {  	[dreg:$0x0] =	wrdreg $0x60  }
0xaf: {  	[dreg:$0x2] =	wrdreg s2  }
0xb0: {  	[dreg:$0x3] =	wrdreg s24  }
0xb1: {  	[dreg:$0x4] =	wrdreg s18  }
0xb2: {  	[dreg:$0x5] =	wrdreg $0x1BE800  }
0xb3: {  	[dreg:$0x6] =	wrdreg $0x1C0800  }
0xb4: {  	[dreg:$0x7] =	wrdreg $0x1C2800  }
0xb5: {  	[dreg:$0x8] =	wrdreg $0x9  }
0xb6: {  	_ =	task.clear_ibuf [dreg:s8], $0x9FFFF;
	_ =	strace $0x90000046  }
0xb7: {  	s29 =	simm.s32 $0x9;
	_ =	strace $0x80000048  }
0xb8: {  	_ =	swait.ge [sflag:s29], $0x1  }
0xb9: {  	[sflag:s29] =	ssyncadd.s32 $0xFFFFFFFF  }
0xba: {  	_ =	strace $0x90000048  }
0xbb: {  	_ =	sfence  }
0xbc: {  	s30 =	sld [smem:$0x0];
	_ =	sdelay $0x2  }
0xbd: {  	s31 =	sshll.u32 s1, $0xD;
	s1 =	sshrl.u32 s1, $0x2  }
0xbe: {  	s3 =	sand.u32 $0x4000, s31;
	s1 =	sadd.s32 s1, s30  }
0xbf: {  	s0 =	sor.u32 s3, s0;
	s1 =	sshll.u32 s1, $0x11  }
0xc0: {  	s0 =	sor.u32 s1, s0  }
0xc1: {  	s0 =	sadd.s32 $0x8F2B, s0  }
0xc2: {  	[sflag:s0] =	ssyncadd.remote.s32 $0x1  }
0xc3: {  	_ =	sfence.sel $0xFFFF  }
0xc4: {  	[dreg:$0x0] =	wrdreg $0xFFFFFFFF;
	(pc) =	sbr.abs _section_cstart, $3  }
0xc5: {  	[dreg:$0x1] =	wrdreg $0xFFFFFFFF  }
0xc6: {  	_ =	task.clear_ibuf [dreg:s8], $0x2FFFF;
	_ =	strace $0x9FFFFFFF  }
0xc7: {  	(tm) =	ssettm $0x7FFFFFFF  }
tec
execute0_lowered:
.L_overlay_start_1:
0x0: {  	(tag) =	ssettag $0x1  }
0x1: {  	s0 =	rddreg [dreg:$0x0]  }
0x2: {  	s3 =	rddreg [dreg:$0x1]  }
0x3: {  	s9 =	rddreg [dreg:$0x2]  }
0x4: {  	s1 =	rddreg [dreg:$0x3]  }
0x5: {  	s2 =	rddreg [dreg:$0x4]  }
0x6: {  	s4 =	rddreg [dreg:$0x5];
	s5 =	simm.s32 $0x0;
	s16 =	stileid.u32  }
0x7: {  	s7 =	srdreg.scid;
	s28 =	simm.s32 $0x11A80;
	s29 =	simm.s32 $0x14280  }
0x8: {  	s30 =	simm.s32 $0x16A80;
	s31 =	simm.s32 $0x4;
	[smem:$0x7FF] =	sst s5  }
0x9: {  	s6 =	smul.u32 $0x50, s16;
	s8 =	sshll.u32 s16, $0x7;
	s10 =	sand.u32 $0x1, s7  }
0xa: {  	s24 =	sshll.u32 s16, $0xA;
	s15 =	smul.u32 $0xC800, s16;
	p0 =	sgt.u32 s16, $0x7  }
0xb: {  	s16 =	simm.s32 $0x80;
	_ =	strace $0x80000047;
	s22 =	ssub.s32 $0x2, s10  }
0xc: {  	s12 =	sshll.u32 s10, $0xE;
	s14 =	smul.u32 $0x186A000, s10;
	s26 =	sadd.s32 s24, s1  }
0xd: {  	s7 =	sadd.s32 s24, s2;
	p1 =	sne.s32 @!p0 s10, $0x0;
	s11 =	sadd.s32 s6, s3  }
0xe: {  	s3 =	sadd.s32 s8, s3;
	s23 =	sshrl.u32 s22, $0x1;
	[dreg:$0xd] =	wrdreg s26  }
0xf: {  	s25 =	sor.u32 s24, s12;
	[dreg:$0xe] =	wrdreg s7;
	s8 =	sadd.s32 s24, s4  }
0x10: {  	s24 =	simm.s32 $0x7A80;
	s26 =	simm.s32 $0xF280;
	p1 =	por p1, p0  }
0x11: {  	s13 =	ssub.s32 s22, s23;
	s12 =	sshrl.u32 s25, $0x3;
	s3 =	sadd.s32 $0x6000, s3  }
0x12: {  	s18 =	sadd.s32 s15, s14;
	s11 =	sadd.s32 $0x1000, s11;
	[dreg:$0xa] =	wrdreg s24  }
0x13: {  	s15 =	simm.s32 $0x280;
	s22 =	simm.s32 $0x2A80;
	[dreg:$0xc] =	wrdreg s26  }
0x14: {  	s23 =	simm.s32 $0x5280;
	s25 =	simm.s32 $0xA280;
	[dreg:$0x11] =	wrdreg s3  }
0x15: {  	s24 =	simm.s32 $0x5;
	s26 =	simm.s32 $0x3;
	[dreg:$0x7] =	wrdreg s11  }
0x16: {  	s17 =	sadd.s32 s9, s12;
	s19 =	smax.u32 s13, $0x1;
	[dreg:$0x8] =	wrdreg s22  }
0x17: {  	s20 =	sadd.s32 $0x1482000, s18;
	s3 =	sadd.s32 $0x84D000, s18;
	[dreg:$0x9] =	wrdreg s23  }
0x18: {  	s18 =	simm.s32 $0x180;
	s22 =	simm.s32 $0xCA80;
	[dreg:$0xb] =	wrdreg s25  }
0x19: {  	s23 =	simm.s32 $0x50;
	s25 =	simm.s32 $0x19280;
	[dreg:$0xf] =	wrdreg s17  }
0x1a: {  	s6 =	sadd.s32 $0x400, s17;
	[dreg:$0x12] =	wrdreg s19;
	s9 =	sshrl.u32 s20, $0x3  }
0x1b: {  	s21 =	sshrl.u32 s3, $0x3;
	s17 =	simm.s32 $0x100;
	s19 =	simm.s32 $0x200  }
0x1c: {  	s20 =	simm.s32 $0x1;
	[dreg:$0x10] =	wrdreg s6;
	s3 =	sadd.s32 s9, s0  }
0x1d: {  	v0 =	vimm.f32 $1.000000000e+00;
	v1 =	vimm.f32 $0.0e+00;
	s12 =	sadd.s32 s21, s0;
	s21 =	simm.s32 $0x2;
	s0 =	simm.s32 $0x0  }
.LBB2_1:
0x1e: {  	s10 =	simm.s32 $0x0;
	s9 =	simm.s32 $0x200  }
.LBB2_2:
0x1f: {  	p2 =	sne.s32 s9, $0x9E00;
	[tilespmem:s10+$0x192F0] =	vst v0  }
0x20: {  	[tilespmem:s10+$0x19280] =	vst v0  }
0x21: {  	[tilespmem:s10+$0x19290] =	vst v0  }
.Ltmp0:
0x22: {  	[tilespmem:s10+$0x192A0] =	vst v0;
	(pc) =	sbr.rel @p2 .LBB2_2-.Ltmp0, $4  }
0x23: {  	[tilespmem:s10+$0x192B0] =	vst v0  }
0x24: {  	[tilespmem:s10+$0x192C0] =	vst v0  }
0x25: {  	[tilespmem:s10+$0x192D0] =	vst v0  }
0x26: {  	[tilespmem:s10+$0x192E0] =	vst v0;
	s10 =	sshra.s32 s9, $0x2;
	s9 =	sadd.s32 $0x200, s9  }
0x27: {  	[tilespmem:s10+$0x192F0] =	vst v0  }
0x28: {  	[tilespmem:s10+$0x19280] =	vst v0  }
0x29: {  	[tilespmem:s10+$0x19290] =	vst v0  }
0x2a: {  	[tilespmem:s10+$0x192A0] =	vst v0  }
0x2b: {  	[tilespmem:s10+$0x192B0] =	vst v0  }
0x2c: {  	[tilespmem:s10+$0x192C0] =	vst v0  }
0x2d: {  	[tilespmem:s10+$0x192D0] =	vst v0  }
0x2e: {  	[tilespmem:s10+$0x192E0] =	vst v0  }
0x2f: {  	[tilespmem:$0x1BA80] =	vst v1  }
0x30: {  	[tilespmem:$0x1BA90] =	vst v1  }
0x31: {  	[tilespmem:$0x1BAA0] =	vst v1  }
0x32: {  	[tilespmem:$0x1BAB0] =	vst v1  }
0x33: {  	[tilespmem:$0x1BAC0] =	vst v1  }
0x34: {  	[tilespmem:$0x1BAD0] =	vst v1  }
0x35: {  	[tilespmem:$0x1BAE0] =	vst v1  }
0x36: {  	[tilespmem:$0x1BAF0] =	vst v1  }
0x37: {  	[tilespmem:$0x1BB00] =	vst v1  }
0x38: {  	[tilespmem:$0x1BB10] =	vst v1  }
0x39: {  	[tilespmem:$0x1BB20] =	vst v1  }
0x3a: {  	[tilespmem:$0x1BB30] =	vst v1  }
0x3b: {  	[tilespmem:$0x1BB40] =	vst v1  }
0x3c: {  	[tilespmem:$0x1BB50] =	vst v1  }
0x3d: {  	[tilespmem:$0x1BB60] =	vst v1  }
0x3e: {  	[tilespmem:$0x1BB70] =	vst v1  }
0x3f: {  	[tilespmem:$0x1BB80] =	vst v1  }
0x40: {  	[tilespmem:$0x1BB90] =	vst v1  }
0x41: {  	[tilespmem:$0x1BBA0] =	vst v1  }
0x42: {  	[tilespmem:$0x1BBB0] =	vst v1  }
0x43: {  	[tilespmem:$0x1BBC0] =	vst v1  }
0x44: {  	[tilespmem:$0x1BBD0] =	vst v1  }
0x45: {  	[tilespmem:$0x1BBE0] =	vst v1  }
0x46: {  	[tilespmem:$0x1BBF0] =	vst v1  }
0x47: {  	[tilespmem:$0x1BC00] =	vst v1  }
0x48: {  	[tilespmem:$0x1BC10] =	vst v1  }
0x49: {  	[tilespmem:$0x1BC20] =	vst v1  }
0x4a: {  	[tilespmem:$0x1BC30] =	vst v1  }
0x4b: {  	[tilespmem:$0x1BC40] =	vst v1  }
0x4c: {  	[tilespmem:$0x1BC50] =	vst v1  }
0x4d: {  	[tilespmem:$0x1BC60] =	vst v1  }
0x4e: {  	[tilespmem:$0x1BC70] =	vst v1  }
0x4f: {  	[tilespmem:$0x1BC80] =	vst v1  }
0x50: {  	[tilespmem:$0x1BC90] =	vst v1  }
0x51: {  	[tilespmem:$0x1BCA0] =	vst v1  }
0x52: {  	[tilespmem:$0x1BCB0] =	vst v1  }
0x53: {  	[tilespmem:$0x1BCC0] =	vst v1  }
0x54: {  	[tilespmem:$0x1BCD0] =	vst v1  }
0x55: {  	[tilespmem:$0x1BCE0] =	vst v1  }
0x56: {  	[tilespmem:$0x1BCF0] =	vst v1  }
0x57: {  	[tilespmem:$0x1BD00] =	vst v1  }
0x58: {  	[tilespmem:$0x1BD10] =	vst v1  }
0x59: {  	[tilespmem:$0x1BD20] =	vst v1  }
0x5a: {  	[tilespmem:$0x1BD30] =	vst v1  }
0x5b: {  	[tilespmem:$0x1BD40] =	vst v1  }
0x5c: {  	[tilespmem:$0x1BD50] =	vst v1  }
0x5d: {  	[tilespmem:$0x1BD60] =	vst v1  }
0x5e: {  	[tilespmem:$0x1BD70] =	vst v1  }
0x5f: {  	[tilespmem:$0x1BD80] =	vst v1  }
0x60: {  	[tilespmem:$0x1BD90] =	vst v1  }
0x61: {  	[tilespmem:$0x1BDA0] =	vst v1  }
0x62: {  	[tilespmem:$0x1BDB0] =	vst v1  }
0x63: {  	[tilespmem:$0x1BDC0] =	vst v1  }
0x64: {  	[tilespmem:$0x1BDD0] =	vst v1  }
0x65: {  	[tilespmem:$0x1BDE0] =	vst v1  }
0x66: {  	[tilespmem:$0x1BDF0] =	vst v1  }
0x67: {  	[tilespmem:$0x1BE00] =	vst v1  }
0x68: {  	[tilespmem:$0x1BE10] =	vst v1  }
0x69: {  	[tilespmem:$0x1BE20] =	vst v1  }
0x6a: {  	[tilespmem:$0x1BE30] =	vst v1  }
0x6b: {  	[tilespmem:$0x1BE40] =	vst v1  }
0x6c: {  	[tilespmem:$0x1BE50] =	vst v1  }
0x6d: {  	[tilespmem:$0x1BE60] =	vst v1  }
0x6e: {  	s9 =	simm.s32 @!p0 $0x1BA80;
	s6 =	rddreg [dreg:$0xd];
	s10 =	simm.s32 @!p0 $0x4;
	[tilespmem:$0x1BE70] =	vst v1  }
0x6f: {  	[spmem:s6] =	stream.linear.scatter @!p0 [tilespmem:s9], [sflag:$0x4], $0x400, $0x38;
	[tilespmem:$0x1C480] =	vst v63  }
0x70: {  	_ =	swait.ge @!p0 [sflag:s10], $0x400  }
0x71: {  	[sflag:s10] =	ssyncset.done @!p0 $0x0  }
0x72: {  	s6 =	rddreg [dreg:$0xe];
	[sflag:s10] =	ssyncadd.s32 @!p0 $0xFFFFFC00  }
0x73: {  	[spmem:s6] =	stream.linear.scatter @!p0 [tilespmem:s9], [sflag:$0x4], $0x400, $0x38;
	[tilespmem:$0x1C480] =	vst v63  }
0x74: {  	_ =	swait.ge @!p0 [sflag:s10], $0x400  }
0x75: {  	[sflag:s10] =	ssyncset.done @!p0 $0x0  }
0x76: {  	[sflag:s10] =	ssyncadd.s32 @!p0 $0xFFFFFC00  }
0x77: {  	[spmem:s8] =	stream.linear.scatter @!p0 [tilespmem:s9], [sflag:$0x4], $0x400, $0x38;
	[tilespmem:$0x1C480] =	vst v63  }
0x78: {  	_ =	swait.ge @!p0 [sflag:s10], $0x400  }
0x79: {  	[sflag:s10] =	ssyncset.done @!p0 $0x0  }
0x7a: {  	[sflag:s10] =	ssyncadd.s32 @!p0 $0xFFFFFC00  }
0x7b: {  	[bflag:$0x0] =	sbarrier.arrive $0xFFFF  }
0x7c: {  	s10 =	rddreg [dreg:$0x7]  }
0x7d: {  	[tilespmem:s15], [sflag:$0x2] =	stream.linear.gather [hbm4b:s12+s5], $0xC800, $0x38;
	[tilespmem:$0x1C480] =	vst v63  }
0x7e: {  	s9 =	sadd.s32 $0x0, s10  }
0x7f: {  	s11 =	sadd.s32 $0x3520, s9  }
0x80: {  	[tilespmem:s5], [sflag:$0x1] =	stream.linear.gather [hbm4b:s11+s5], $0x80, $0x38;
	[tilespmem:$0x1C480] =	vst v63  }
0x81: {  	s13 =	sadd.s32 $0x3530, s9  }
0x82: {  	[tilespmem:s16], [sflag:$0x1] =	stream.linear.gather [hbm4b:s13+s5], $0x80, $0x38;
	[tilespmem:$0x1C480] =	vst v63  }
0x83: {  	s14 =	sadd.s32 $0x3540, s9  }
0x84: {  	[tilespmem:s17], [sflag:$0x1] =	stream.linear.gather [hbm4b:s14+s5], $0x80, $0x38;
	[tilespmem:$0x1C480] =	vst v63  }
0x85: {  	s6 =	sadd.s32 $0x3550, s9  }
0x86: {  	[tilespmem:s18], [sflag:$0x1] =	stream.linear.gather [hbm4b:s6+s5], $0x80, $0x38;
	[tilespmem:$0x1C480] =	vst v63  }
0x87: {  	s9 =	sadd.s32 $0x3560, s9  }
0x88: {  	[tilespmem:s19], [sflag:$0x1] =	stream.linear.gather [hbm4b:s9+s5], $0x80, $0x38;
	[tilespmem:$0x1C480] =	vst v63  }
0x89: {  	_ =	swait.ge [sflag:s20], $0x80  }
0x8a: {  	[sflag:s20] =	ssyncset.done $0x0  }
0x8b: {  	[sflag:s20] =	ssyncadd.s32 $0xFFFFFF80  }
0x8c: {  	_ =	swait.ge [sflag:s20], $0x80  }
0x8d: {  	[sflag:s20] =	ssyncset.done $0x0  }
0x8e: {  	[sflag:s20] =	ssyncadd.s32 $0xFFFFFF80  }
0x8f: {  	_ =	swait.ge [sflag:s20], $0x80  }
0x90: {  	[sflag:s20] =	ssyncset.done $0x0  }
0x91: {  	[sflag:s20] =	ssyncadd.s32 $0xFFFFFF80  }
0x92: {  	_ =	swait.ge [sflag:s20], $0x80  }
0x93: {  	[sflag:s20] =	ssyncset.done $0x0  }
0x94: {  	[sflag:s20] =	ssyncadd.s32 $0xFFFFFF80  }
0x95: {  	_ =	swait.ge [sflag:s20], $0x80  }
0x96: {  	[sflag:s20] =	ssyncset.done $0x0  }
0x97: {  	[sflag:s20] =	ssyncadd.s32 $0xFFFFFF80  }
0x98: {  	_ =	swait.ge [sflag:s21], $0xC800  }
0x99: {  	[sflag:s21] =	ssyncset.done $0x0  }
0x9a: {  	[sflag:s21] =	ssyncadd.s32 $0xFFFF3800  }
0x9b: {  	[tilespmem:s22], [sflag:$0x3] =	stream.linear.gather [hbm4b:s3+s5], $0xC800, $0x38;
	[tilespmem:$0x1C480] =	vst v63  }
0x9c: {  	_ = 	snop  }
0x9d: {  	[spmem:s1] =	stream.indirect.scatter.add.f32 [tilespmem:s15], [sflag:$0x5], $0x80, s5, s23, $0xb8;
	[tilespmem:$0x1C480] =	vst v63  }
0x9e: {  	_ =	swait.ge [sflag:s24], $0x2800  }
0x9f: {  	[sflag:s24] =	ssyncset.done $0x0  }
0xa0: {  	s7 =	rddreg [dreg:$0x8];
	[sflag:s24] =	ssyncadd.s32 $0xFFFFD800  }
0xa1: {  	[spmem:s1] =	stream.indirect.scatter.add.f32 [tilespmem:s7], [sflag:$0x5], $0x80, s16, s23, $0xb8;
	[tilespmem:$0x1C480] =	vst v63  }
0xa2: {  	_ =	swait.ge [sflag:s24], $0x2800  }
0xa3: {  	[sflag:s24] =	ssyncset.done $0x0  }
0xa4: {  	s10 =	rddreg [dreg:$0x9];
	[sflag:s24] =	ssyncadd.s32 $0xFFFFD800  }
0xa5: {  	[spmem:s1] =	stream.indirect.scatter.add.f32 [tilespmem:s10], [sflag:$0x5], $0x80, s17, s23, $0xb8;
	[tilespmem:$0x1C480] =	vst v63  }
0xa6: {  	_ =	swait.ge [sflag:s24], $0x2800  }
0xa7: {  	[sflag:s24] =	ssyncset.done $0x0  }
0xa8: {  	s11 =	rddreg [dreg:$0xa];
	[sflag:s24] =	ssyncadd.s32 $0xFFFFD800  }
0xa9: {  	[spmem:s1] =	stream.indirect.scatter.add.f32 [tilespmem:s11], [sflag:$0x5], $0x80, s18, s23, $0xb8;
	[tilespmem:$0x1C480] =	vst v63  }
0xaa: {  	_ =	swait.ge [sflag:s24], $0x2800  }
0xab: {  	[sflag:s24] =	ssyncset.done $0x0  }
0xac: {  	s13 =	rddreg [dreg:$0xb];
	[sflag:s24] =	ssyncadd.s32 $0xFFFFD800  }
0xad: {  	[spmem:s1] =	stream.indirect.scatter.add.f32 [tilespmem:s13], [sflag:$0x5], $0x80, s19, s23, $0xb8;
	[tilespmem:$0x1C480] =	vst v63  }
0xae: {  	_ =	swait.ge [sflag:s24], $0x2800  }
0xaf: {  	[sflag:s24] =	ssyncset.done $0x0  }
0xb0: {  	[sflag:s24] =	ssyncadd.s32 $0xFFFFD800  }
0xb1: {  	[spmem:s4] =	stream.indirect.scatter.add.f32 [tilespmem:s25], [sflag:$0x5], $0x80, s5, s23, $0xb8;
	[tilespmem:$0x1C480] =	vst v63  }
0xb2: {  	_ =	swait.ge [sflag:s24], $0x2800  }
0xb3: {  	[sflag:s24] =	ssyncset.done $0x0  }
0xb4: {  	[sflag:s24] =	ssyncadd.s32 $0xFFFFD800  }
0xb5: {  	[spmem:s4] =	stream.indirect.scatter.add.f32 [tilespmem:s25], [sflag:$0x5], $0x80, s16, s23, $0xb8;
	[tilespmem:$0x1C480] =	vst v63  }
0xb6: {  	_ =	swait.ge [sflag:s24], $0x2800  }
0xb7: {  	[sflag:s24] =	ssyncset.done $0x0  }
0xb8: {  	[sflag:s24] =	ssyncadd.s32 $0xFFFFD800  }
0xb9: {  	[spmem:s4] =	stream.indirect.scatter.add.f32 [tilespmem:s25], [sflag:$0x5], $0x80, s17, s23, $0xb8;
	[tilespmem:$0x1C480] =	vst v63  }
0xba: {  	_ =	swait.ge [sflag:s24], $0x2800  }
0xbb: {  	[sflag:s24] =	ssyncset.done $0x0  }
0xbc: {  	[sflag:s24] =	ssyncadd.s32 $0xFFFFD800  }
0xbd: {  	[spmem:s4] =	stream.indirect.scatter.add.f32 [tilespmem:s25], [sflag:$0x5], $0x80, s18, s23, $0xb8;
	[tilespmem:$0x1C480] =	vst v63  }
0xbe: {  	_ =	swait.ge [sflag:s24], $0x2800  }
0xbf: {  	[sflag:s24] =	ssyncset.done $0x0  }
0xc0: {  	[sflag:s24] =	ssyncadd.s32 $0xFFFFD800  }
0xc1: {  	[spmem:s4] =	stream.indirect.scatter.add.f32 [tilespmem:s25], [sflag:$0x5], $0x80, s19, s23, $0xb8;
	[tilespmem:$0x1C480] =	vst v63  }
0xc2: {  	_ =	swait.ge [sflag:s24], $0x2800  }
0xc3: {  	[sflag:s24] =	ssyncset.done $0x0  }
0xc4: {  	[sflag:s24] =	ssyncadd.s32 $0xFFFFD800  }
0xc5: {  	_ =	swait.ge [sflag:s26], $0xC800  }
0xc6: {  	[sflag:s26] =	ssyncset.done $0x0  }
0xc7: {  	[sflag:s26] =	ssyncadd.s32 $0xFFFF3800  }
0xc8: {  	[spmem:s2] =	stream.indirect.scatter.add.f32 [tilespmem:s22], [sflag:$0x5], $0x80, s5, s23, $0xb8;
	[tilespmem:$0x1C480] =	vst v63  }
0xc9: {  	_ =	swait.ge [sflag:s24], $0x2800  }
0xca: {  	[sflag:s24] =	ssyncset.done $0x0  }
0xcb: {  	s14 =	rddreg [dreg:$0xc];
	[sflag:s24] =	ssyncadd.s32 $0xFFFFD800  }
0xcc: {  	[spmem:s2] =	stream.indirect.scatter.add.f32 [tilespmem:s14], [sflag:$0x5], $0x80, s16, s23, $0xb8;
	[tilespmem:$0x1C480] =	vst v63  }
0xcd: {  	_ =	swait.ge [sflag:s24], $0x2800  }
0xce: {  	[sflag:s24] =	ssyncset.done $0x0  }
0xcf: {  	[sflag:s24] =	ssyncadd.s32 $0xFFFFD800  }
0xd0: {  	[spmem:s2] =	stream.indirect.scatter.add.f32 [tilespmem:s28], [sflag:$0x5], $0x80, s17, s23, $0xb8;
	[tilespmem:$0x1C480] =	vst v63  }
0xd1: {  	_ =	swait.ge [sflag:s24], $0x2800  }
0xd2: {  	[sflag:s24] =	ssyncset.done $0x0  }
0xd3: {  	[sflag:s24] =	ssyncadd.s32 $0xFFFFD800  }
0xd4: {  	[spmem:s2] =	stream.indirect.scatter.add.f32 [tilespmem:s29], [sflag:$0x5], $0x80, s18, s23, $0xb8;
	[tilespmem:$0x1C480] =	vst v63  }
0xd5: {  	_ =	swait.ge [sflag:s24], $0x2800  }
0xd6: {  	[sflag:s24] =	ssyncset.done $0x0  }
0xd7: {  	s10 =	simm.s32 $0x500;
	[sflag:s24] =	ssyncadd.s32 $0xFFFFD800  }
0xd8: {  	[spmem:s2] =	stream.indirect.scatter.add.f32 [tilespmem:s30], [sflag:$0x4], $0x80, s19, s23, $0xb8;
	[tilespmem:$0x1C480] =	vst v63  }
0xd9: {  	s11 =	simm.s32 $0xA00;
	s13 =	smov.u32 s3;
	_ =	swait.ge [sflag:s31], $0x2800  }
0xda: {  	s14 =	smov.u32 s12;
	s9 =	rddreg [dreg:$0x7];
	[sflag:s31] =	ssyncset.done $0x0  }
.LBB2_4:
0xdb: {  	[sflag:s31] =	ssyncadd.s32 $0xFFFFD800;
	s14 =	sadd.s32 $0x19000, s14;
	s9 =	sadd.s32 s10, s9  }
0xdc: {  	[tilespmem:s15], [sflag:$0x2] =	stream.linear.gather [hbm4b:s14+s5], $0xC800, $0x38;
	[tilespmem:$0x1C480] =	vst v63  }
0xdd: {  	s7 =	sadd.s32 $0x3520, s9  }
0xde: {  	[tilespmem:s5], [sflag:$0x1] =	stream.linear.gather [hbm4b:s7+s5], $0x80, $0x38;
	[tilespmem:$0x1C480] =	vst v63  }
0xdf: {  	s7 =	sadd.s32 $0x3530, s9  }
0xe0: {  	[tilespmem:s16], [sflag:$0x1] =	stream.linear.gather [hbm4b:s7+s5], $0x80, $0x38;
	[tilespmem:$0x1C480] =	vst v63  }
0xe1: {  	s7 =	sadd.s32 $0x3540, s9  }
0xe2: {  	[tilespmem:s17], [sflag:$0x1] =	stream.linear.gather [hbm4b:s7+s5], $0x80, $0x38;
	[tilespmem:$0x1C480] =	vst v63  }
0xe3: {  	s7 =	sadd.s32 $0x3550, s9  }
0xe4: {  	[tilespmem:s18], [sflag:$0x1] =	stream.linear.gather [hbm4b:s7+s5], $0x80, $0x38;
	[tilespmem:$0x1C480] =	vst v63  }
0xe5: {  	s7 =	sadd.s32 $0x3560, s9  }
0xe6: {  	[tilespmem:s19], [sflag:$0x1] =	stream.linear.gather [hbm4b:s7+s5], $0x80, $0x38;
	[tilespmem:$0x1C480] =	vst v63  }
0xe7: {  	_ =	swait.ge [sflag:s20], $0x80  }
0xe8: {  	[sflag:s20] =	ssyncset.done $0x0  }
0xe9: {  	[sflag:s20] =	ssyncadd.s32 $0xFFFFFF80  }
0xea: {  	_ =	swait.ge [sflag:s20], $0x80  }
0xeb: {  	[sflag:s20] =	ssyncset.done $0x0  }
0xec: {  	[sflag:s20] =	ssyncadd.s32 $0xFFFFFF80  }
0xed: {  	_ =	swait.ge [sflag:s20], $0x80  }
0xee: {  	[sflag:s20] =	ssyncset.done $0x0  }
0xef: {  	[sflag:s20] =	ssyncadd.s32 $0xFFFFFF80  }
0xf0: {  	_ =	swait.ge [sflag:s20], $0x80  }
0xf1: {  	[sflag:s20] =	ssyncset.done $0x0  }
0xf2: {  	[sflag:s20] =	ssyncadd.s32 $0xFFFFFF80  }
0xf3: {  	_ =	swait.ge [sflag:s20], $0x80  }
0xf4: {  	[sflag:s20] =	ssyncset.done $0x0  }
0xf5: {  	[sflag:s20] =	ssyncadd.s32 $0xFFFFFF80  }
0xf6: {  	_ =	swait.ge [sflag:s21], $0xC800  }
0xf7: {  	[sflag:s21] =	ssyncset.done $0x0  }
0xf8: {  	s13 =	sadd.s32 $0x19000, s13;
	[sflag:s21] =	ssyncadd.s32 $0xFFFF3800  }
0xf9: {  	[tilespmem:s22], [sflag:$0x3] =	stream.linear.gather [hbm4b:s13+s5], $0xC800, $0x38;
	[tilespmem:$0x1C480] =	vst v63  }
0xfa: {  	_ = 	snop  }
0xfb: {  	[spmem:s1] =	stream.indirect.scatter.add.f32 [tilespmem:s15], [sflag:$0x5], $0x80, s5, s23, $0xb8;
	[tilespmem:$0x1C480] =	vst v63  }
0xfc: {  	_ =	swait.ge [sflag:s24], $0x2800  }
0xfd: {  	[sflag:s24] =	ssyncset.done $0x0  }
0xfe: {  	s9 =	rddreg [dreg:$0x8];
	[sflag:s24] =	ssyncadd.s32 $0xFFFFD800  }
0xff: {  	[spmem:s1] =	stream.indirect.scatter.add.f32 [tilespmem:s9], [sflag:$0x5], $0x80, s16, s23, $0xb8;
	[tilespmem:$0x1C480] =	vst v63  }
0x100: {  	_ =	swait.ge [sflag:s24], $0x2800  }
0x101: {  	[sflag:s24] =	ssyncset.done $0x0  }
0x102: {  	s7 =	rddreg [dreg:$0x9];
	[sflag:s24] =	ssyncadd.s32 $0xFFFFD800  }
0x103: {  	[spmem:s1] =	stream.indirect.scatter.add.f32 [tilespmem:s7], [sflag:$0x5], $0x80, s17, s23, $0xb8;
	[tilespmem:$0x1C480] =	vst v63  }
0x104: {  	_ =	swait.ge [sflag:s24], $0x2800  }
0x105: {  	[sflag:s24] =	ssyncset.done $0x0  }
0x106: {  	s9 =	rddreg [dreg:$0xa];
	[sflag:s24] =	ssyncadd.s32 $0xFFFFD800  }
0x107: {  	[spmem:s1] =	stream.indirect.scatter.add.f32 [tilespmem:s9], [sflag:$0x5], $0x80, s18, s23, $0xb8;
	[tilespmem:$0x1C480] =	vst v63  }
0x108: {  	_ =	swait.ge [sflag:s24], $0x2800  }
0x109: {  	[sflag:s24] =	ssyncset.done $0x0  }
0x10a: {  	s7 =	rddreg [dreg:$0xb];
	[sflag:s24] =	ssyncadd.s32 $0xFFFFD800  }
0x10b: {  	[spmem:s1] =	stream.indirect.scatter.add.f32 [tilespmem:s7], [sflag:$0x5], $0x80, s19, s23, $0xb8;
	[tilespmem:$0x1C480] =	vst v63  }
0x10c: {  	_ =	swait.ge [sflag:s24], $0x2800  }
0x10d: {  	[sflag:s24] =	ssyncset.done $0x0  }
0x10e: {  	[sflag:s24] =	ssyncadd.s32 $0xFFFFD800  }
0x10f: {  	[spmem:s4] =	stream.indirect.scatter.add.f32 [tilespmem:s25], [sflag:$0x5], $0x80, s5, s23, $0xb8;
	[tilespmem:$0x1C480] =	vst v63  }
0x110: {  	_ =	swait.ge [sflag:s24], $0x2800  }
0x111: {  	[sflag:s24] =	ssyncset.done $0x0  }
0x112: {  	[sflag:s24] =	ssyncadd.s32 $0xFFFFD800  }
0x113: {  	[spmem:s4] =	stream.indirect.scatter.add.f32 [tilespmem:s25], [sflag:$0x5], $0x80, s16, s23, $0xb8;
	[tilespmem:$0x1C480] =	vst v63  }
0x114: {  	_ =	swait.ge [sflag:s24], $0x2800  }
0x115: {  	[sflag:s24] =	ssyncset.done $0x0  }
0x116: {  	[sflag:s24] =	ssyncadd.s32 $0xFFFFD800  }
0x117: {  	[spmem:s4] =	stream.indirect.scatter.add.f32 [tilespmem:s25], [sflag:$0x5], $0x80, s17, s23, $0xb8;
	[tilespmem:$0x1C480] =	vst v63  }
0x118: {  	_ =	swait.ge [sflag:s24], $0x2800  }
0x119: {  	[sflag:s24] =	ssyncset.done $0x0  }
0x11a: {  	[sflag:s24] =	ssyncadd.s32 $0xFFFFD800  }
0x11b: {  	[spmem:s4] =	stream.indirect.scatter.add.f32 [tilespmem:s25], [sflag:$0x5], $0x80, s18, s23, $0xb8;
	[tilespmem:$0x1C480] =	vst v63  }
0x11c: {  	_ =	swait.ge [sflag:s24], $0x2800  }
0x11d: {  	[sflag:s24] =	ssyncset.done $0x0  }
0x11e: {  	[sflag:s24] =	ssyncadd.s32 $0xFFFFD800  }
0x11f: {  	[spmem:s4] =	stream.indirect.scatter.add.f32 [tilespmem:s25], [sflag:$0x5], $0x80, s19, s23, $0xb8;
	[tilespmem:$0x1C480] =	vst v63  }
0x120: {  	_ =	swait.ge [sflag:s24], $0x2800  }
0x121: {  	[sflag:s24] =	ssyncset.done $0x0  }
0x122: {  	[sflag:s24] =	ssyncadd.s32 $0xFFFFD800  }
0x123: {  	_ =	swait.ge [sflag:s26], $0xC800  }
0x124: {  	[sflag:s26] =	ssyncset.done $0x0  }
0x125: {  	[sflag:s26] =	ssyncadd.s32 $0xFFFF3800  }
0x126: {  	[spmem:s2] =	stream.indirect.scatter.add.f32 [tilespmem:s22], [sflag:$0x5], $0x80, s5, s23, $0xb8;
	[tilespmem:$0x1C480] =	vst v63  }
0x127: {  	_ =	swait.ge [sflag:s24], $0x2800  }
0x128: {  	[sflag:s24] =	ssyncset.done $0x0  }
0x129: {  	s9 =	rddreg [dreg:$0xc];
	[sflag:s24] =	ssyncadd.s32 $0xFFFFD800  }
0x12a: {  	[spmem:s2] =	stream.indirect.scatter.add.f32 [tilespmem:s9], [sflag:$0x5], $0x80, s16, s23, $0xb8;
	[tilespmem:$0x1C480] =	vst v63  }
0x12b: {  	_ =	swait.ge [sflag:s24], $0x2800  }
0x12c: {  	[sflag:s24] =	ssyncset.done $0x0  }
0x12d: {  	[sflag:s24] =	ssyncadd.s32 $0xFFFFD800  }
0x12e: {  	[spmem:s2] =	stream.indirect.scatter.add.f32 [tilespmem:s28], [sflag:$0x5], $0x80, s17, s23, $0xb8;
	[tilespmem:$0x1C480] =	vst v63  }
0x12f: {  	_ =	swait.ge [sflag:s24], $0x2800  }
0x130: {  	[sflag:s24] =	ssyncset.done $0x0  }
0x131: {  	[sflag:s24] =	ssyncadd.s32 $0xFFFFD800  }
0x132: {  	[spmem:s2] =	stream.indirect.scatter.add.f32 [tilespmem:s29], [sflag:$0x5], $0x80, s18, s23, $0xb8;
	[tilespmem:$0x1C480] =	vst v63  }
0x133: {  	p2 =	sne.s32 s11, $0x1400;
	_ =	swait.ge [sflag:s24], $0x2800  }
.Ltmp1:
0x134: {  	[sflag:s24] =	ssyncset.done $0x0;
	(pc) =	sbr.rel @p2 .LBB2_4-.Ltmp1, $4  }
0x135: {  	[sflag:s24] =	ssyncadd.s32 $0xFFFFD800  }
0x136: {  	[spmem:s2] =	stream.indirect.scatter.add.f32 [tilespmem:s30], [sflag:$0x4], $0x80, s19, s23, $0xb8;
	[tilespmem:$0x1C480] =	vst v63  }
0x137: {  	s6 =	smov.u32 s11;
	s11 =	sadd.s32 $0x500, s11;
	_ =	swait.ge [sflag:s31], $0x2800  }
0x138: {  	s10 =	smov.u32 s6;
	s9 =	rddreg [dreg:$0x7];
	[sflag:s31] =	ssyncset.done $0x0  }
0x139: {  	[sflag:s31] =	ssyncadd.s32 $0xFFFFD800;
	s6 =	sadd.s32 $0x19000, s14;
	s14 =	sadd.s32 s10, s9  }
0x13a: {  	[tilespmem:s15], [sflag:$0x2] =	stream.linear.gather [hbm4b:s6+s5], $0xC800, $0x38;
	[tilespmem:$0x1C480] =	vst v63  }
0x13b: {  	s7 =	sadd.s32 $0x3520, s14  }
0x13c: {  	[tilespmem:s5], [sflag:$0x1] =	stream.linear.gather [hbm4b:s7+s5], $0x80, $0x38;
	[tilespmem:$0x1C480] =	vst v63  }
0x13d: {  	s9 =	sadd.s32 $0x3530, s14  }
0x13e: {  	[tilespmem:s16], [sflag:$0x1] =	stream.linear.gather [hbm4b:s9+s5], $0x80, $0x38;
	[tilespmem:$0x1C480] =	vst v63  }
0x13f: {  	s10 =	sadd.s32 $0x3540, s14  }
0x140: {  	[tilespmem:s17], [sflag:$0x1] =	stream.linear.gather [hbm4b:s10+s5], $0x80, $0x38;
	[tilespmem:$0x1C480] =	vst v63  }
0x141: {  	s11 =	sadd.s32 $0x3550, s14  }
0x142: {  	[tilespmem:s18], [sflag:$0x1] =	stream.linear.gather [hbm4b:s11+s5], $0x80, $0x38;
	[tilespmem:$0x1C480] =	vst v63  }
0x143: {  	s6 =	sadd.s32 $0x3560, s14  }
0x144: {  	[tilespmem:s19], [sflag:$0x1] =	stream.linear.gather [hbm4b:s6+s5], $0x80, $0x38;
	[tilespmem:$0x1C480] =	vst v63  }
0x145: {  	_ =	swait.ge [sflag:s20], $0x80  }
0x146: {  	[sflag:s20] =	ssyncset.done $0x0  }
0x147: {  	[sflag:s20] =	ssyncadd.s32 $0xFFFFFF80  }
0x148: {  	_ =	swait.ge [sflag:s20], $0x80  }
0x149: {  	[sflag:s20] =	ssyncset.done $0x0  }
0x14a: {  	[sflag:s20] =	ssyncadd.s32 $0xFFFFFF80  }
0x14b: {  	_ =	swait.ge [sflag:s20], $0x80  }
0x14c: {  	[sflag:s20] =	ssyncset.done $0x0  }
0x14d: {  	[sflag:s20] =	ssyncadd.s32 $0xFFFFFF80  }
0x14e: {  	_ =	swait.ge [sflag:s20], $0x80  }
0x14f: {  	[sflag:s20] =	ssyncset.done $0x0  }
0x150: {  	[sflag:s20] =	ssyncadd.s32 $0xFFFFFF80  }
0x151: {  	_ =	swait.ge [sflag:s20], $0x80  }
0x152: {  	[sflag:s20] =	ssyncset.done $0x0  }
0x153: {  	[sflag:s20] =	ssyncadd.s32 $0xFFFFFF80  }
0x154: {  	_ =	swait.ge [sflag:s21], $0xC800  }
0x155: {  	[sflag:s21] =	ssyncset.done $0x0  }
0x156: {  	s14 =	sadd.s32 $0x19000, s13;
	[sflag:s21] =	ssyncadd.s32 $0xFFFF3800  }
0x157: {  	[tilespmem:s22], [sflag:$0x3] =	stream.linear.gather [hbm4b:s14+s5], $0xC800, $0x38;
	[tilespmem:$0x1C480] =	vst v63  }
0x158: {  	_ = 	snop  }
0x159: {  	[spmem:s1] =	stream.indirect.scatter.add.f32 [tilespmem:s15], [sflag:$0x5], $0x80, s5, s23, $0xb8;
	[tilespmem:$0x1C480] =	vst v63  }
0x15a: {  	_ =	swait.ge [sflag:s24], $0x2800  }
0x15b: {  	[sflag:s24] =	ssyncset.done $0x0  }
0x15c: {  	s7 =	rddreg [dreg:$0x8];
	[sflag:s24] =	ssyncadd.s32 $0xFFFFD800  }
0x15d: {  	[spmem:s1] =	stream.indirect.scatter.add.f32 [tilespmem:s7], [sflag:$0x5], $0x80, s16, s23, $0xb8;
	[tilespmem:$0x1C480] =	vst v63  }
0x15e: {  	_ =	swait.ge [sflag:s24], $0x2800  }
0x15f: {  	[sflag:s24] =	ssyncset.done $0x0  }
0x160: {  	s9 =	rddreg [dreg:$0x9];
	[sflag:s24] =	ssyncadd.s32 $0xFFFFD800  }
0x161: {  	[spmem:s1] =	stream.indirect.scatter.add.f32 [tilespmem:s9], [sflag:$0x5], $0x80, s17, s23, $0xb8;
	[tilespmem:$0x1C480] =	vst v63  }
0x162: {  	_ =	swait.ge [sflag:s24], $0x2800  }
0x163: {  	[sflag:s24] =	ssyncset.done $0x0  }
0x164: {  	s10 =	rddreg [dreg:$0xa];
	[sflag:s24] =	ssyncadd.s32 $0xFFFFD800  }
0x165: {  	[spmem:s1] =	stream.indirect.scatter.add.f32 [tilespmem:s10], [sflag:$0x5], $0x80, s18, s23, $0xb8;
	[tilespmem:$0x1C480] =	vst v63  }
0x166: {  	_ =	swait.ge [sflag:s24], $0x2800  }
0x167: {  	[sflag:s24] =	ssyncset.done $0x0  }
0x168: {  	s11 =	rddreg [dreg:$0xb];
	[sflag:s24] =	ssyncadd.s32 $0xFFFFD800  }
0x169: {  	[spmem:s1] =	stream.indirect.scatter.add.f32 [tilespmem:s11], [sflag:$0x5], $0x80, s19, s23, $0xb8;
	[tilespmem:$0x1C480] =	vst v63  }
0x16a: {  	_ =	swait.ge [sflag:s24], $0x2800  }
0x16b: {  	[sflag:s24] =	ssyncset.done $0x0  }
0x16c: {  	[sflag:s24] =	ssyncadd.s32 $0xFFFFD800  }
0x16d: {  	[spmem:s4] =	stream.indirect.scatter.add.f32 [tilespmem:s25], [sflag:$0x5], $0x80, s5, s23, $0xb8;
	[tilespmem:$0x1C480] =	vst v63  }
0x16e: {  	_ =	swait.ge [sflag:s24], $0x2800  }
0x16f: {  	[sflag:s24] =	ssyncset.done $0x0  }
0x170: {  	[sflag:s24] =	ssyncadd.s32 $0xFFFFD800  }
0x171: {  	[spmem:s4] =	stream.indirect.scatter.add.f32 [tilespmem:s25], [sflag:$0x5], $0x80, s16, s23, $0xb8;
	[tilespmem:$0x1C480] =	vst v63  }
0x172: {  	_ =	swait.ge [sflag:s24], $0x2800  }
0x173: {  	[sflag:s24] =	ssyncset.done $0x0  }
0x174: {  	[sflag:s24] =	ssyncadd.s32 $0xFFFFD800  }
0x175: {  	[spmem:s4] =	stream.indirect.scatter.add.f32 [tilespmem:s25], [sflag:$0x5], $0x80, s17, s23, $0xb8;
	[tilespmem:$0x1C480] =	vst v63  }
0x176: {  	_ =	swait.ge [sflag:s24], $0x2800  }
0x177: {  	[sflag:s24] =	ssyncset.done $0x0  }
0x178: {  	[sflag:s24] =	ssyncadd.s32 $0xFFFFD800  }
0x179: {  	[spmem:s4] =	stream.indirect.scatter.add.f32 [tilespmem:s25], [sflag:$0x5], $0x80, s18, s23, $0xb8;
	[tilespmem:$0x1C480] =	vst v63  }
0x17a: {  	_ =	swait.ge [sflag:s24], $0x2800  }
0x17b: {  	[sflag:s24] =	ssyncset.done $0x0  }
0x17c: {  	[sflag:s24] =	ssyncadd.s32 $0xFFFFD800  }
0x17d: {  	[spmem:s4] =	stream.indirect.scatter.add.f32 [tilespmem:s25], [sflag:$0x5], $0x80, s19, s23, $0xb8;
	[tilespmem:$0x1C480] =	vst v63  }
0x17e: {  	_ =	swait.ge [sflag:s24], $0x2800  }
0x17f: {  	[sflag:s24] =	ssyncset.done $0x0  }
0x180: {  	[sflag:s24] =	ssyncadd.s32 $0xFFFFD800  }
0x181: {  	_ =	swait.ge [sflag:s26], $0xC800  }
0x182: {  	[sflag:s26] =	ssyncset.done $0x0  }
0x183: {  	[sflag:s26] =	ssyncadd.s32 $0xFFFF3800  }
0x184: {  	[spmem:s2] =	stream.indirect.scatter.add.f32 [tilespmem:s22], [sflag:$0x5], $0x80, s5, s23, $0xb8;
	[tilespmem:$0x1C480] =	vst v63  }
0x185: {  	_ =	swait.ge [sflag:s24], $0x2800  }
0x186: {  	[sflag:s24] =	ssyncset.done $0x0  }
0x187: {  	s13 =	rddreg [dreg:$0xc];
	[sflag:s24] =	ssyncadd.s32 $0xFFFFD800  }
0x188: {  	[spmem:s2] =	stream.indirect.scatter.add.f32 [tilespmem:s13], [sflag:$0x5], $0x80, s16, s23, $0xb8;
	[tilespmem:$0x1C480] =	vst v63  }
0x189: {  	_ =	swait.ge [sflag:s24], $0x2800  }
0x18a: {  	[sflag:s24] =	ssyncset.done $0x0  }
0x18b: {  	[sflag:s24] =	ssyncadd.s32 $0xFFFFD800  }
0x18c: {  	[spmem:s2] =	stream.indirect.scatter.add.f32 [tilespmem:s28], [sflag:$0x5], $0x80, s17, s23, $0xb8;
	[tilespmem:$0x1C480] =	vst v63  }
0x18d: {  	_ =	swait.ge [sflag:s24], $0x2800  }
0x18e: {  	[sflag:s24] =	ssyncset.done $0x0  }
0x18f: {  	[sflag:s24] =	ssyncadd.s32 $0xFFFFD800  }
0x190: {  	[spmem:s2] =	stream.indirect.scatter.add.f32 [tilespmem:s29], [sflag:$0x5], $0x80, s18, s23, $0xb8;
	[tilespmem:$0x1C480] =	vst v63  }
0x191: {  	_ =	swait.ge [sflag:s24], $0x2800  }
0x192: {  	[sflag:s24] =	ssyncset.done $0x0  }
0x193: {  	[sflag:s24] =	ssyncadd.s32 $0xFFFFD800  }
0x194: {  	[spmem:s2] =	stream.indirect.scatter.add.f32 [tilespmem:s30], [sflag:$0x4], $0x80, s19, s23, $0xb8;
	[tilespmem:$0x1C480] =	vst v63  }
0x195: {  	_ =	swait.ge [sflag:s31], $0x2800  }
0x196: {  	[sflag:s31] =	ssyncset.done $0x0  }
0x197: {  	[sflag:s31] =	ssyncadd.s32 $0xFFFFD800  }
0x198: {  	s6 =	stileid.u32;
	[bflag:$0x0] =	sbarrier.arrive $0xFFFF  }
0x199: {  	s6 =	sshll.u32 @!p0 s6, $0x6;
	s7 =	rddreg [dreg:$0xd]  }
0x19a: {  	s6 =	sor.u32 @!p0 $0x1C04, s6;
	s9 =	rddreg [dreg:$0xf];
	s7 =	sshrl.u32 @!p0 s7, $0x3  }
0x19b: {  	[hbm:s9], [sflag:s6] =	dma.local @!p0 [spmem:s7], $0x80  }
0x19c: {  	s7 =	simm.s32 @!p0 $0x4  }
0x19d: {  	_ =	swait.ge @!p0 [sflag:s7], $0x80  }
0x19e: {  	[sflag:s7] =	ssyncset.done @!p0 $0x0;
	s9 =	rddreg [dreg:$0xe]  }
0x19f: {  	s10 =	rddreg [dreg:$0x10];
	[sflag:s7] =	ssyncadd.s32 @!p0 $0xFFFFFF80;
	s9 =	sshrl.u32 @!p0 s9, $0x3  }
0x1a0: {  	[hbm:s10], [sflag:s6] =	dma.local @!p0 [spmem:s9], $0x80  }
0x1a1: {  	_ =	swait.ge @!p0 [sflag:s7], $0x80  }
0x1a2: {  	[sflag:s7] =	ssyncset.done @!p0 $0x0  }
0x1a3: {  	s9 =	rddreg [dreg:$0x11];
	[sflag:s7] =	ssyncadd.s32 @!p0 $0xFFFFFF80;
	s7 =	sshrl.u32 @!p1 s8, $0x3  }
0x1a4: {  	[hbm:s9], [sflag:s6] =	dma.local @!p1 [spmem:s7], $0x80  }
0x1a5: {  	s6 =	simm.s32 @!p1 $0x4  }
0x1a6: {  	_ =	swait.ge @!p1 [sflag:s6], $0x80  }
0x1a7: {  	s0 =	sadd.s32 $0x1, s0;
	s14 =	rddreg [dreg:$0x12]  }
0x1a8: {  	p2 =	sne.s32 s0, s14  }
.Ltmp2:
0x1a9: {  	_ = 	snop;
	(pc) =	sbr.rel @p2 .LBB2_1-.Ltmp2, $3  }
0x1aa: {  	_ =	sdelay $0x1  }
0x1ab: {  	[sflag:s6] =	ssyncset.done @!p1 $0x0  }
0x1ac: {  	[sflag:s6] =	ssyncadd.s32 @!p1 $0xFFFFFF80  }
0x1ad: {  	_ =	sfence.sel $0x180000  }
0x1ae: {  	[bflag:$0x0] =	sbarrier.arrive $0xFFFF  }
0x1af: {  	_ =	strace $0x90000047  }
0x1b0: {  	s0 =	stileid.u32;
	[bflag:$0x2] =	sbarrier.arrive $0xFFFF  }
0x1b1: {  	p0 =	sne.s32 s0, $0x0;
	s0 =	rddreg [dreg:$0x6]  }
0x1b2: {  	s0 =	sadd.s32 @!p0 $0x100000, s0  }
0x1b3: {  	[sflag:s0] =	ssyncadd.tile.s32 @!p0 $0x1;
	_ =	shalt  }
.Lfunc_end2:
_tile_overlayer_lowered:
.L_overlay_start_2:
0x1b4: {  	(tag) =	ssettag $0x2  }
0x1b5: {  	s0 =	rddreg [dreg:$0x0];
	s2 =	stileid.u32  }
0x1b6: {  	s1 =	rddreg [dreg:$0x1];
	p0 =	sne.s32 s2, $0x0  }
0x1b7: {  	s3 =	rddreg [dreg:$0x2];
	[bflag:$0x3] =	sbarrier.arrive $0xFFFF;
	s2 =	simm.s32 @!p0 $0x1C04  }
0x1b8: {  	[timem:s3], [sflag:s2] =	dma.local @!p0 [hbm:s0], s1  }
0x1b9: {  	s0 =	simm.s32 @!p0 $0x4  }
0x1ba: {  	_ =	swait.ge @!p0 [sflag:s0], s1  }
0x1bb: {  	s1 =	ssub.s32 @!p0 $0x0, s1;
	[sflag:s0] =	ssyncset.done @!p0 $0x0  }
0x1bc: {  	[sflag:s0] =	ssyncadd.s32 @!p0 s1  }
0x1bd: {  	[bflag:$0x3] =	sbarrier.arrive $0xFFFF  }
0x1be: {  	_ =	shalt  }

</sc_bundles>
